<compile_context>
chip_gen: v7x
topology: tpu7x:2x2x1
jax: 0.10.2.dev20260603
libtpu: 0.0.44.dev20260713+nightly
codegen_flags: <defaults>
</compile_context>

<pallas_src>
import functools

import jax
import jax.numpy as jnp
from jax import lax
from jax.experimental import pallas as pl
from jax.experimental.pallas import tpu as pltpu
from jax.experimental.pallas import tpu_sc as plsc

NUM_VARIATES = 100000
D_MODEL = 128
B, T = 4096, 200
B_FLAT = B * T

_info = plsc.get_sparse_core_info()
NC, NS = _info.num_cores, _info.num_subcores
NW = NC * NS
ROWS_PER_W = B_FLAT // NW
CHUNK = 128
N_CHUNKS = ROWS_PER_W // CHUNK
BUFS = 5


def _make_gather():
    mesh = plsc.VectorSubcoreMesh(core_axis_name="c", subcore_axis_name="s")

    @functools.partial(
        pl.kernel,
        mesh=mesh,
        out_type=jax.ShapeDtypeStruct((B_FLAT, D_MODEL), jnp.float32),
        scratch_types=[
            pltpu.VMEM((N_CHUNKS, CHUNK), jnp.int32),
            pltpu.VMEM((BUFS, CHUNK, D_MODEL), jnp.float32),
            pltpu.SemaphoreType.DMA((BUFS,)),
            pltpu.SemaphoreType.DMA((BUFS,)),
        ],
    )
    def gather_kernel(idx_hbm, table_hbm, out_hbm, idx_v, rows, gsem, ssem):
        wid = lax.axis_index("s") * NC + lax.axis_index("c")
        base = wid * ROWS_PER_W

        pltpu.sync_copy(idx_hbm.at[pl.ds(wid * N_CHUNKS, N_CHUNKS)], idx_v)

        def fire_gather(b, k):
            pltpu.async_copy(table_hbm.at[idx_v.at[k]], rows.at[b],
                             gsem.at[b])

        def wait_gather(b):
            pltpu.make_async_copy(table_hbm.at[pl.ds(0, CHUNK)], rows.at[b],
                                  gsem.at[b]).wait()

        def fire_store(b, k):
            pltpu.async_copy(rows.at[b],
                             out_hbm.at[pl.ds(base + k * CHUNK, CHUNK)],
                             ssem.at[b])

        def wait_store(b):
            pltpu.make_async_copy(rows.at[b], out_hbm.at[pl.ds(base, CHUNK)],
                                  ssem.at[b]).wait()

        for b in range(BUFS):
            fire_gather(b, b)

        @pl.loop(0, N_CHUNKS, step=BUFS)
        def _round(k0):
            for b in range(BUFS):
                k = k0 + b
                wait_gather(b)
                fire_store(b, k)

                @pl.when(k + BUFS < N_CHUNKS)
                def _():
                    wait_store(b)
                    fire_gather(b, k + BUFS)

        for b in range(BUFS):
            wait_store(b)

    return gather_kernel


_gather = _make_gather()


@jax.jit
def kernel(variate_ids, embed_table):
    idx = variate_ids.reshape(B_FLAT // CHUNK, CHUNK).astype(jnp.int32)
    out = _gather(idx, embed_table)
    return out.reshape(B, T, D_MODEL)

# --- scband reference (transcript-rebuilt; emitter-appended) ---
"""Pipeline reference for scband-variate-embedding-34102040330709 (READ-ONLY COPY).

The authoritative reference and input builder live on the scoring server;
editing this copy changes nothing except your own understanding.
"""

import jax, jax.numpy as jnp
import numpy as np

NUM_VARIATES = 100000
D_MODEL = 128
B, T = 4096, 200

def setup_inputs(seed: int = 0) -> dict:
    key = jax.random.key(seed)
    k_idx, k_emb = jax.random.split(key)
    variate_ids = jax.random.randint(k_idx, (B, T), 0, NUM_VARIATES, dtype=jnp.int64 if jax.config.jax_enable_x64 else jnp.int32)
    # nn.Embedding default init: N(0, 1)
    embed_table = jax.random.normal(k_emb, (NUM_VARIATES, D_MODEL), dtype=jnp.float32)
    return {"variate_ids": variate_ids, "embed_table": embed_table}

def reference(variate_ids, embed_table):
    # nn.Embedding forward: row gather from the embedding table
    return jnp.take(embed_table, variate_ids, axis=0)

if __name__ == "__main__":
    import jax
    _d = setup_inputs()
    print(jax.jit(kernel)(*tuple(_d.values())))

</pallas_src>

<mosaic_0001>
#map = affine_map<(d0, d1) -> (0, 0)>
module attributes {stable_mosaic.version = 14 : i64} {
  func.func @gather_kernel(%arg0: i32, %arg1: i32, %arg2: memref<6400x128xi32, #tpu.memory_space<hbm>>, %arg3: memref<100000x128xf32, #tpu.memory_space<hbm>>, %arg4: memref<819200x128xf32, #tpu.memory_space<hbm>>, %arg5: memref<200x128xi32, #tpu.memory_space<vmem>>, %arg6: memref<5x128x128xf32, #tpu.memory_space<vmem>>, %arg7: memref<5x!tpu.dma_semaphore, #tpu.memory_space<semaphore_mem>>, %arg8: memref<5x!tpu.dma_semaphore, #tpu.memory_space<semaphore_mem>>) attributes {dimension_semantics = [#tpu.dimension_semantics<core_parallel>, #tpu.dimension_semantics<subcore_parallel>], iteration_bounds = array<i64: 2, 16>, scalar_prefetch = 0 : i64, scratch_operands = 4 : i64, tpu.core_type = #tpu.core_type<sc_vector_subcore>, window_params = [{transform_indices = #map}, {transform_indices = #map}, {transform_indices = #map}]} {
    %mul3A = arith.constant 2 : i32
    %mul3A_0 = arith.muli %arg1, %mul3A : i32
    %add3A = arith.addi %mul3A_0, %arg0 : i32
    %mul3A_1 = arith.constant 25600 : i32
    %mul3A_2 = arith.muli %add3A, %mul3A_1 : i32
    %mul3A_3 = arith.constant 200 : i32
    %mul3A_4 = arith.muli %add3A, %mul3A_3 : i32
    "tpu.region"() ({
      %run_scoped3A = tpu.sem_alloc : memref<!tpu.dma_semaphore, #tpu.memory_space<semaphore_mem>>
      %dma_start3A_162 = arith.constant 0 : i32
      %dma_start3A_163 = tpu.memref_slice %arg2[%mul3A_4, %dma_start3A_162] : memref<6400x128xi32, #tpu.memory_space<hbm>> -> memref<200x128xi32, #tpu.memory_space<hbm>>
      %dma_start3A_164 = arith.constant 0 : i32
      %dma_start3A_165 = tpu.memref_slice %arg2[%mul3A_4, %dma_start3A_164] : memref<6400x128xi32, #tpu.memory_space<hbm>> -> memref<200x128xi32, #tpu.memory_space<hbm>>
      tpu.enqueue_dma source(%dma_start3A_165 : memref<200x128xi32, #tpu.memory_space<hbm>>) target(%arg5 : memref<200x128xi32, #tpu.memory_space<vmem>>) target_semaphore(%run_scoped3A : memref<!tpu.dma_semaphore, #tpu.memory_space<semaphore_mem>>)
      %dma_wait3A_166 = arith.constant 0 : i32
      %dma_wait3A_167 = tpu.memref_slice %arg2[%mul3A_4, %dma_wait3A_166] : memref<6400x128xi32, #tpu.memory_space<hbm>> -> memref<200x128xi32, #tpu.memory_space<hbm>>
      %dma_wait3A_168 = arith.constant 0 : i32
      %dma_wait3A_169 = tpu.memref_slice %arg2[%mul3A_4, %dma_wait3A_168] : memref<6400x128xi32, #tpu.memory_space<hbm>> -> memref<200x128xi32, #tpu.memory_space<hbm>>
      tpu.wait_dma2 semaphore(%run_scoped3A : memref<!tpu.dma_semaphore, #tpu.memory_space<semaphore_mem>>) src(%dma_wait3A_169 : memref<200x128xi32, #tpu.memory_space<hbm>>) dst(%arg5 : memref<200x128xi32, #tpu.memory_space<vmem>>)
      tpu.yield
    }) : () -> ()
    %dma_start3A = arith.constant 0 : i32
    %dma_start3A_5 = arith.constant 0 : i32
    %dma_start3A_6 = arith.constant 0 : i32
    %dma_start3A_7 = arith.constant 0 : i32
    %dma_start3A_8 = arith.constant 0 : i32
    %dma_start3A_9 = tpu.memref_slice %arg6[%dma_start3A_5, %dma_start3A_7, %dma_start3A_8] : memref<5x128x128xf32, #tpu.memory_space<vmem>> -> memref<1x128x128xf32, #tpu.memory_space<vmem>>
    %dma_start3A_10 = tpu.memref_squeeze %dma_start3A_9 : memref<1x128x128xf32, #tpu.memory_space<vmem>> -> memref<128x128xf32, #tpu.memory_space<vmem>>
    %dma_start3A_11 = arith.constant 0 : i32
    %dma_start3A_12 = tpu.memref_slice %arg5[%dma_start3A, %dma_start3A_11] : memref<200x128xi32, #tpu.memory_space<vmem>> -> memref<1x128xi32, #tpu.memory_space<vmem>>
    %dma_start3A_13 = tpu.memref_squeeze %dma_start3A_12 : memref<1x128xi32, #tpu.memory_space<vmem>> -> memref<128xi32, #tpu.memory_space<vmem>>
    %dma_start3A_14 = arith.constant 0 : i32
    %dma_start3A_15 = arith.constant 0 : i32
    %dma_start3A_16 = tpu.memref_slice %arg3[%dma_start3A_14, %dma_start3A_15] : memref<100000x128xf32, #tpu.memory_space<hbm>> -> memref<100000x128xf32, #tpu.memory_space<hbm>>
    %dma_start3A_17 = tpu.memref_slice %arg7[%dma_start3A_6] : memref<5x!tpu.dma_semaphore, #tpu.memory_space<semaphore_mem>> -> memref<1x!tpu.dma_semaphore, #tpu.memory_space<semaphore_mem>>
    %dma_start3A_18 = tpu.memref_squeeze %dma_start3A_17 : memref<1x!tpu.dma_semaphore, #tpu.memory_space<semaphore_mem>> -> memref<!tpu.dma_semaphore, #tpu.memory_space<semaphore_mem>>
    tpu.enqueue_indirect_dma source(%dma_start3A_16 : memref<100000x128xf32, #tpu.memory_space<hbm>>) target(%dma_start3A_10 : memref<128x128xf32, #tpu.memory_space<vmem>>) offsets(%dma_start3A_13 : memref<128xi32, #tpu.memory_space<vmem>>) semaphore(%dma_start3A_18 : memref<!tpu.dma_semaphore, #tpu.memory_space<semaphore_mem>>)
    %dma_start3A_19 = arith.constant 1 : i32
    %dma_start3A_20 = arith.constant 1 : i32
    %dma_start3A_21 = arith.constant 1 : i32
    %dma_start3A_22 = arith.constant 0 : i32
    %dma_start3A_23 = arith.constant 0 : i32
    %dma_start3A_24 = tpu.memref_slice %arg6[%dma_start3A_20, %dma_start3A_22, %dma_start3A_23] : memref<5x128x128xf32, #tpu.memory_space<vmem>> -> memref<1x128x128xf32, #tpu.memory_space<vmem>>
    %dma_start3A_25 = tpu.memref_squeeze %dma_start3A_24 : memref<1x128x128xf32, #tpu.memory_space<vmem>> -> memref<128x128xf32, #tpu.memory_space<vmem>>
    %dma_start3A_26 = arith.constant 0 : i32
    %dma_start3A_27 = tpu.memref_slice %arg5[%dma_start3A_19, %dma_start3A_26] : memref<200x128xi32, #tpu.memory_space<vmem>> -> memref<1x128xi32, #tpu.memory_space<vmem>>
    %dma_start3A_28 = tpu.memref_squeeze %dma_start3A_27 : memref<1x128xi32, #tpu.memory_space<vmem>> -> memref<128xi32, #tpu.memory_space<vmem>>
    %dma_start3A_29 = arith.constant 0 : i32
    %dma_start3A_30 = arith.constant 0 : i32
    %dma_start3A_31 = tpu.memref_slice %arg3[%dma_start3A_29, %dma_start3A_30] : memref<100000x128xf32, #tpu.memory_space<hbm>> -> memref<100000x128xf32, #tpu.memory_space<hbm>>
    %dma_start3A_32 = tpu.memref_slice %arg7[%dma_start3A_21] : memref<5x!tpu.dma_semaphore, #tpu.memory_space<semaphore_mem>> -> memref<1x!tpu.dma_semaphore, #tpu.memory_space<semaphore_mem>>
    %dma_start3A_33 = tpu.memref_squeeze %dma_start3A_32 : memref<1x!tpu.dma_semaphore, #tpu.memory_space<semaphore_mem>> -> memref<!tpu.dma_semaphore, #tpu.memory_space<semaphore_mem>>
    tpu.enqueue_indirect_dma source(%dma_start3A_31 : memref<100000x128xf32, #tpu.memory_space<hbm>>) target(%dma_start3A_25 : memref<128x128xf32, #tpu.memory_space<vmem>>) offsets(%dma_start3A_28 : memref<128xi32, #tpu.memory_space<vmem>>) semaphore(%dma_start3A_33 : memref<!tpu.dma_semaphore, #tpu.memory_space<semaphore_mem>>)
    %dma_start3A_34 = arith.constant 2 : i32
    %dma_start3A_35 = arith.constant 2 : i32
    %dma_start3A_36 = arith.constant 2 : i32
    %dma_start3A_37 = arith.constant 0 : i32
    %dma_start3A_38 = arith.constant 0 : i32
    %dma_start3A_39 = tpu.memref_slice %arg6[%dma_start3A_35, %dma_start3A_37, %dma_start3A_38] : memref<5x128x128xf32, #tpu.memory_space<vmem>> -> memref<1x128x128xf32, #tpu.memory_space<vmem>>
    %dma_start3A_40 = tpu.memref_squeeze %dma_start3A_39 : memref<1x128x128xf32, #tpu.memory_space<vmem>> -> memref<128x128xf32, #tpu.memory_space<vmem>>
    %dma_start3A_41 = arith.constant 0 : i32
    %dma_start3A_42 = tpu.memref_slice %arg5[%dma_start3A_34, %dma_start3A_41] : memref<200x128xi32, #tpu.memory_space<vmem>> -> memref<1x128xi32, #tpu.memory_space<vmem>>
    %dma_start3A_43 = tpu.memref_squeeze %dma_start3A_42 : memref<1x128xi32, #tpu.memory_space<vmem>> -> memref<128xi32, #tpu.memory_space<vmem>>
    %dma_start3A_44 = arith.constant 0 : i32
    %dma_start3A_45 = arith.constant 0 : i32
    %dma_start3A_46 = tpu.memref_slice %arg3[%dma_start3A_44, %dma_start3A_45] : memref<100000x128xf32, #tpu.memory_space<hbm>> -> memref<100000x128xf32, #tpu.memory_space<hbm>>
    %dma_start3A_47 = tpu.memref_slice %arg7[%dma_start3A_36] : memref<5x!tpu.dma_semaphore, #tpu.memory_space<semaphore_mem>> -> memref<1x!tpu.dma_semaphore, #tpu.memory_space<semaphore_mem>>
    %dma_start3A_48 = tpu.memref_squeeze %dma_start3A_47 : memref<1x!tpu.dma_semaphore, #tpu.memory_space<semaphore_mem>> -> memref<!tpu.dma_semaphore, #tpu.memory_space<semaphore_mem>>
    tpu.enqueue_indirect_dma source(%dma_start3A_46 : memref<100000x128xf32, #tpu.memory_space<hbm>>) target(%dma_start3A_40 : memref<128x128xf32, #tpu.memory_space<vmem>>) offsets(%dma_start3A_43 : memref<128xi32, #tpu.memory_space<vmem>>) semaphore(%dma_start3A_48 : memref<!tpu.dma_semaphore, #tpu.memory_space<semaphore_mem>>)
    %dma_start3A_49 = arith.constant 3 : i32
    %dma_start3A_50 = arith.constant 3 : i32
    %dma_start3A_51 = arith.constant 3 : i32
    %dma_start3A_52 = arith.constant 0 : i32
    %dma_start3A_53 = arith.constant 0 : i32
    %dma_start3A_54 = tpu.memref_slice %arg6[%dma_start3A_50, %dma_start3A_52, %dma_start3A_53] : memref<5x128x128xf32, #tpu.memory_space<vmem>> -> memref<1x128x128xf32, #tpu.memory_space<vmem>>
    %dma_start3A_55 = tpu.memref_squeeze %dma_start3A_54 : memref<1x128x128xf32, #tpu.memory_space<vmem>> -> memref<128x128xf32, #tpu.memory_space<vmem>>
    %dma_start3A_56 = arith.constant 0 : i32
    %dma_start3A_57 = tpu.memref_slice %arg5[%dma_start3A_49, %dma_start3A_56] : memref<200x128xi32, #tpu.memory_space<vmem>> -> memref<1x128xi32, #tpu.memory_space<vmem>>
    %dma_start3A_58 = tpu.memref_squeeze %dma_start3A_57 : memref<1x128xi32, #tpu.memory_space<vmem>> -> memref<128xi32, #tpu.memory_space<vmem>>
    %dma_start3A_59 = arith.constant 0 : i32
    %dma_start3A_60 = arith.constant 0 : i32
    %dma_start3A_61 = tpu.memref_slice %arg3[%dma_start3A_59, %dma_start3A_60] : memref<100000x128xf32, #tpu.memory_space<hbm>> -> memref<100000x128xf32, #tpu.memory_space<hbm>>
    %dma_start3A_62 = tpu.memref_slice %arg7[%dma_start3A_51] : memref<5x!tpu.dma_semaphore, #tpu.memory_space<semaphore_mem>> -> memref<1x!tpu.dma_semaphore, #tpu.memory_space<semaphore_mem>>
    %dma_start3A_63 = tpu.memref_squeeze %dma_start3A_62 : memref<1x!tpu.dma_semaphore, #tpu.memory_space<semaphore_mem>> -> memref<!tpu.dma_semaphore, #tpu.memory_space<semaphore_mem>>
    tpu.enqueue_indirect_dma source(%dma_start3A_61 : memref<100000x128xf32, #tpu.memory_space<hbm>>) target(%dma_start3A_55 : memref<128x128xf32, #tpu.memory_space<vmem>>) offsets(%dma_start3A_58 : memref<128xi32, #tpu.memory_space<vmem>>) semaphore(%dma_start3A_63 : memref<!tpu.dma_semaphore, #tpu.memory_space<semaphore_mem>>)
    %dma_start3A_64 = arith.constant 4 : i32
    %dma_start3A_65 = arith.constant 4 : i32
    %dma_start3A_66 = arith.constant 4 : i32
    %dma_start3A_67 = arith.constant 0 : i32
    %dma_start3A_68 = arith.constant 0 : i32
    %dma_start3A_69 = tpu.memref_slice %arg6[%dma_start3A_65, %dma_start3A_67, %dma_start3A_68] : memref<5x128x128xf32, #tpu.memory_space<vmem>> -> memref<1x128x128xf32, #tpu.memory_space<vmem>>
    %dma_start3A_70 = tpu.memref_squeeze %dma_start3A_69 : memref<1x128x128xf32, #tpu.memory_space<vmem>> -> memref<128x128xf32, #tpu.memory_space<vmem>>
    %dma_start3A_71 = arith.constant 0 : i32
    %dma_start3A_72 = tpu.memref_slice %arg5[%dma_start3A_64, %dma_start3A_71] : memref<200x128xi32, #tpu.memory_space<vmem>> -> memref<1x128xi32, #tpu.memory_space<vmem>>
    %dma_start3A_73 = tpu.memref_squeeze %dma_start3A_72 : memref<1x128xi32, #tpu.memory_space<vmem>> -> memref<128xi32, #tpu.memory_space<vmem>>
    %dma_start3A_74 = arith.constant 0 : i32
    %dma_start3A_75 = arith.constant 0 : i32
    %dma_start3A_76 = tpu.memref_slice %arg3[%dma_start3A_74, %dma_start3A_75] : memref<100000x128xf32, #tpu.memory_space<hbm>> -> memref<100000x128xf32, #tpu.memory_space<hbm>>
    %dma_start3A_77 = tpu.memref_slice %arg7[%dma_start3A_66] : memref<5x!tpu.dma_semaphore, #tpu.memory_space<semaphore_mem>> -> memref<1x!tpu.dma_semaphore, #tpu.memory_space<semaphore_mem>>
    %dma_start3A_78 = tpu.memref_squeeze %dma_start3A_77 : memref<1x!tpu.dma_semaphore, #tpu.memory_space<semaphore_mem>> -> memref<!tpu.dma_semaphore, #tpu.memory_space<semaphore_mem>>
    tpu.enqueue_indirect_dma source(%dma_start3A_76 : memref<100000x128xf32, #tpu.memory_space<hbm>>) target(%dma_start3A_70 : memref<128x128xf32, #tpu.memory_space<vmem>>) offsets(%dma_start3A_73 : memref<128xi32, #tpu.memory_space<vmem>>) semaphore(%dma_start3A_78 : memref<!tpu.dma_semaphore, #tpu.memory_space<semaphore_mem>>)
    %scan3A = arith.constant 0 : i32
    %scan3A_79 = arith.constant 40 : i32
    %scan3A_80 = arith.addi %scan3A, %scan3A_79 : i32
    %scan3A_81 = arith.constant 1 : i32
    scf.for %scan3A_162 = %scan3A to %scan3A_80 step %scan3A_81  : i32 {
      %mul3A_163 = arith.constant 5 : i32
      %mul3A_164 = arith.muli %scan3A_162, %mul3A_163 : i32
      %add3A_165 = arith.constant 0 : i32
      %add3A_166 = arith.addi %add3A_165, %mul3A_164 : i32
      %add3A_167 = arith.constant 0 : i32
      %add3A_168 = arith.addi %add3A_166, %add3A_167 : i32
      %dma_wait3A_169 = arith.constant 0 : i32
      %dma_wait3A_170 = arith.constant 0 : i32
      %dma_wait3A_171 = arith.constant 0 : i32
      %dma_wait3A_172 = arith.constant 0 : i32
      %dma_wait3A_173 = tpu.memref_slice %arg6[%dma_wait3A_169, %dma_wait3A_171, %dma_wait3A_172] : memref<5x128x128xf32, #tpu.memory_space<vmem>> -> memref<1x128x128xf32, #tpu.memory_space<vmem>>
      %dma_wait3A_174 = tpu.memref_squeeze %dma_wait3A_173 : memref<1x128x128xf32, #tpu.memory_space<vmem>> -> memref<128x128xf32, #tpu.memory_space<vmem>>
      %dma_wait3A_175 = arith.constant 0 : i32
      %dma_wait3A_176 = arith.constant 0 : i32
      %dma_wait3A_177 = tpu.memref_slice %arg3[%dma_wait3A_175, %dma_wait3A_176] : memref<100000x128xf32, #tpu.memory_space<hbm>> -> memref<128x128xf32, #tpu.memory_space<hbm>>
      %dma_wait3A_178 = tpu.memref_slice %arg7[%dma_wait3A_170] : memref<5x!tpu.dma_semaphore, #tpu.memory_space<semaphore_mem>> -> memref<1x!tpu.dma_semaphore, #tpu.memory_space<semaphore_mem>>
      %dma_wait3A_179 = tpu.memref_squeeze %dma_wait3A_178 : memref<1x!tpu.dma_semaphore, #tpu.memory_space<semaphore_mem>> -> memref<!tpu.dma_semaphore, #tpu.memory_space<semaphore_mem>>
      %dma_wait3A_180 = arith.constant 0 : i32
      %dma_wait3A_181 = arith.constant 0 : i32
      %dma_wait3A_182 = tpu.memref_slice %arg6[%dma_wait3A_169, %dma_wait3A_180, %dma_wait3A_181] : memref<5x128x128xf32, #tpu.memory_space<vmem>> -> memref<1x128x128xf32, #tpu.memory_space<vmem>>
      %dma_wait3A_183 = tpu.memref_squeeze %dma_wait3A_182 : memref<1x128x128xf32, #tpu.memory_space<vmem>> -> memref<128x128xf32, #tpu.memory_space<vmem>>
      %dma_wait3A_184 = arith.constant 0 : i32
      %dma_wait3A_185 = arith.constant 0 : i32
      %dma_wait3A_186 = tpu.memref_slice %arg3[%dma_wait3A_184, %dma_wait3A_185] : memref<100000x128xf32, #tpu.memory_space<hbm>> -> memref<128x128xf32, #tpu.memory_space<hbm>>
      tpu.wait_dma2 semaphore(%dma_wait3A_179 : memref<!tpu.dma_semaphore, #tpu.memory_space<semaphore_mem>>) src(%dma_wait3A_186 : memref<128x128xf32, #tpu.memory_space<hbm>>) dst(%dma_wait3A_183 : memref<128x128xf32, #tpu.memory_space<vmem>>)
      %mul3A_187 = arith.constant 128 : i32
      %mul3A_188 = arith.muli %add3A_168, %mul3A_187 : i32
      %add3A_189 = arith.addi %mul3A_2, %mul3A_188 : i32
      %dma_start3A_190 = arith.constant 0 : i32
      %dma_start3A_191 = arith.constant 0 : i32
      %dma_start3A_192 = arith.constant 0 : i32
      %dma_start3A_193 = arith.constant 0 : i32
      %dma_start3A_194 = tpu.memref_slice %arg6[%dma_start3A_190, %dma_start3A_192, %dma_start3A_193] : memref<5x128x128xf32, #tpu.memory_space<vmem>> -> memref<1x128x128xf32, #tpu.memory_space<vmem>>
      %dma_start3A_195 = tpu.memref_squeeze %dma_start3A_194 : memref<1x128x128xf32, #tpu.memory_space<vmem>> -> memref<128x128xf32, #tpu.memory_space<vmem>>
      %dma_start3A_196 = arith.constant 0 : i32
      %dma_start3A_197 = tpu.memref_slice %arg4[%add3A_189, %dma_start3A_196] : memref<819200x128xf32, #tpu.memory_space<hbm>> -> memref<128x128xf32, #tpu.memory_space<hbm>>
      %dma_start3A_198 = tpu.memref_slice %arg8[%dma_start3A_191] : memref<5x!tpu.dma_semaphore, #tpu.memory_space<semaphore_mem>> -> memref<1x!tpu.dma_semaphore, #tpu.memory_space<semaphore_mem>>
      %dma_start3A_199 = tpu.memref_squeeze %dma_start3A_198 : memref<1x!tpu.dma_semaphore, #tpu.memory_space<semaphore_mem>> -> memref<!tpu.dma_semaphore, #tpu.memory_space<semaphore_mem>>
      %dma_start3A_200 = arith.constant 0 : i32
      %dma_start3A_201 = tpu.memref_slice %arg4[%add3A_189, %dma_start3A_200] : memref<819200x128xf32, #tpu.memory_space<hbm>> -> memref<128x128xf32, #tpu.memory_space<hbm>>
      %dma_start3A_202 = arith.constant 0 : i32
      %dma_start3A_203 = arith.constant 0 : i32
      %dma_start3A_204 = tpu.memref_slice %arg6[%dma_start3A_190, %dma_start3A_202, %dma_start3A_203] : memref<5x128x128xf32, #tpu.memory_space<vmem>> -> memref<1x128x128xf32, #tpu.memory_space<vmem>>
      %dma_start3A_205 = tpu.memref_squeeze %dma_start3A_204 : memref<1x128x128xf32, #tpu.memory_space<vmem>> -> memref<128x128xf32, #tpu.memory_space<vmem>>
      tpu.enqueue_dma source(%dma_start3A_205 : memref<128x128xf32, #tpu.memory_space<vmem>>) target(%dma_start3A_201 : memref<128x128xf32, #tpu.memory_space<hbm>>) target_semaphore(%dma_start3A_199 : memref<!tpu.dma_semaphore, #tpu.memory_space<semaphore_mem>>)
      %add3A_206 = arith.constant 5 : i32
      %add3A_207 = arith.addi %add3A_168, %add3A_206 : i32
      %lt3A = arith.constant 200 : i32
      %lt3A_208 = arith.cmpi slt, %add3A_207, %lt3A : i32
      %convert_element_type3A = arith.extui %lt3A_208 : i1 to i32
      %cond3A = arith.constant 0 : i32
      %cond3A_209 = arith.cmpi ne, %convert_element_type3A, %cond3A : i32
      scf.if %cond3A_209 {
        %dma_wait3A_394 = arith.constant 0 : i32
        %dma_wait3A_395 = arith.constant 0 : i32
        %dma_wait3A_396 = arith.constant 0 : i32
        %dma_wait3A_397 = arith.constant 0 : i32
        %dma_wait3A_398 = tpu.memref_slice %arg6[%dma_wait3A_394, %dma_wait3A_396, %dma_wait3A_397] : memref<5x128x128xf32, #tpu.memory_space<vmem>> -> memref<1x128x128xf32, #tpu.memory_space<vmem>>
        %dma_wait3A_399 = tpu.memref_squeeze %dma_wait3A_398 : memref<1x128x128xf32, #tpu.memory_space<vmem>> -> memref<128x128xf32, #tpu.memory_space<vmem>>
        %dma_wait3A_400 = arith.constant 0 : i32
        %dma_wait3A_401 = tpu.memref_slice %arg4[%mul3A_2, %dma_wait3A_400] : memref<819200x128xf32, #tpu.memory_space<hbm>> -> memref<128x128xf32, #tpu.memory_space<hbm>>
        %dma_wait3A_402 = tpu.memref_slice %arg8[%dma_wait3A_395] : memref<5x!tpu.dma_semaphore, #tpu.memory_space<semaphore_mem>> -> memref<1x!tpu.dma_semaphore, #tpu.memory_space<semaphore_mem>>
        %dma_wait3A_403 = tpu.memref_squeeze %dma_wait3A_402 : memref<1x!tpu.dma_semaphore, #tpu.memory_space<semaphore_mem>> -> memref<!tpu.dma_semaphore, #tpu.memory_space<semaphore_mem>>
        %dma_wait3A_404 = arith.constant 0 : i32
        %dma_wait3A_405 = tpu.memref_slice %arg4[%mul3A_2, %dma_wait3A_404] : memref<819200x128xf32, #tpu.memory_space<hbm>> -> memref<128x128xf32, #tpu.memory_space<hbm>>
        %dma_wait3A_406 = arith.constant 0 : i32
        %dma_wait3A_407 = arith.constant 0 : i32
        %dma_wait3A_408 = tpu.memref_slice %arg6[%dma_wait3A_394, %dma_wait3A_406, %dma_wait3A_407] : memref<5x128x128xf32, #tpu.memory_space<vmem>> -> memref<1x128x128xf32, #tpu.memory_space<vmem>>
        %dma_wait3A_409 = tpu.memref_squeeze %dma_wait3A_408 : memref<1x128x128xf32, #tpu.memory_space<vmem>> -> memref<128x128xf32, #tpu.memory_space<vmem>>
        tpu.wait_dma2 semaphore(%dma_wait3A_403 : memref<!tpu.dma_semaphore, #tpu.memory_space<semaphore_mem>>) src(%dma_wait3A_409 : memref<128x128xf32, #tpu.memory_space<vmem>>) dst(%dma_wait3A_405 : memref<128x128xf32, #tpu.memory_space<hbm>>)
        %add3A_410 = arith.constant 5 : i32
        %add3A_411 = arith.addi %add3A_168, %add3A_410 : i32
        %dma_start3A_412 = arith.constant 0 : i32
        %dma_start3A_413 = arith.constant 0 : i32
        %dma_start3A_414 = arith.constant 0 : i32
        %dma_start3A_415 = arith.constant 0 : i32
        %dma_start3A_416 = tpu.memref_slice %arg6[%dma_start3A_412, %dma_start3A_414, %dma_start3A_415] : memref<5x128x128xf32, #tpu.memory_space<vmem>> -> memref<1x128x128xf32, #tpu.memory_space<vmem>>
        %dma_start3A_417 = tpu.memref_squeeze %dma_start3A_416 : memref<1x128x128xf32, #tpu.memory_space<vmem>> -> memref<128x128xf32, #tpu.memory_space<vmem>>
        %dma_start3A_418 = arith.constant 0 : i32
        %dma_start3A_419 = tpu.memref_slice %arg5[%add3A_411, %dma_start3A_418] : memref<200x128xi32, #tpu.memory_space<vmem>> -> memref<1x128xi32, #tpu.memory_space<vmem>>
        %dma_start3A_420 = tpu.memref_squeeze %dma_start3A_419 : memref<1x128xi32, #tpu.memory_space<vmem>> -> memref<128xi32, #tpu.memory_space<vmem>>
        %dma_start3A_421 = arith.constant 0 : i32
        %dma_start3A_422 = arith.constant 0 : i32
        %dma_start3A_423 = tpu.memref_slice %arg3[%dma_start3A_421, %dma_start3A_422] : memref<100000x128xf32, #tpu.memory_space<hbm>> -> memref<100000x128xf32, #tpu.memory_space<hbm>>
        %dma_start3A_424 = tpu.memref_slice %arg7[%dma_start3A_413] : memref<5x!tpu.dma_semaphore, #tpu.memory_space<semaphore_mem>> -> memref<1x!tpu.dma_semaphore, #tpu.memory_space<semaphore_mem>>
        %dma_start3A_425 = tpu.memref_squeeze %dma_start3A_424 : memref<1x!tpu.dma_semaphore, #tpu.memory_space<semaphore_mem>> -> memref<!tpu.dma_semaphore, #tpu.memory_space<semaphore_mem>>
        tpu.enqueue_indirect_dma source(%dma_start3A_423 : memref<100000x128xf32, #tpu.memory_space<hbm>>) target(%dma_start3A_417 : memref<128x128xf32, #tpu.memory_space<vmem>>) offsets(%dma_start3A_420 : memref<128xi32, #tpu.memory_space<vmem>>) semaphore(%dma_start3A_425 : memref<!tpu.dma_semaphore, #tpu.memory_space<semaphore_mem>>)
      } else {
      }
      %add3A_210 = arith.constant 1 : i32
      %add3A_211 = arith.addi %add3A_166, %add3A_210 : i32
      %dma_wait3A_212 = arith.constant 1 : i32
      %dma_wait3A_213 = arith.constant 1 : i32
      %dma_wait3A_214 = arith.constant 0 : i32
      %dma_wait3A_215 = arith.constant 0 : i32
      %dma_wait3A_216 = tpu.memref_slice %arg6[%dma_wait3A_212, %dma_wait3A_214, %dma_wait3A_215] : memref<5x128x128xf32, #tpu.memory_space<vmem>> -> memref<1x128x128xf32, #tpu.memory_space<vmem>>
      %dma_wait3A_217 = tpu.memref_squeeze %dma_wait3A_216 : memref<1x128x128xf32, #tpu.memory_space<vmem>> -> memref<128x128xf32, #tpu.memory_space<vmem>>
      %dma_wait3A_218 = arith.constant 0 : i32
      %dma_wait3A_219 = arith.constant 0 : i32
      %dma_wait3A_220 = tpu.memref_slice %arg3[%dma_wait3A_218, %dma_wait3A_219] : memref<100000x128xf32, #tpu.memory_space<hbm>> -> memref<128x128xf32, #tpu.memory_space<hbm>>
      %dma_wait3A_221 = tpu.memref_slice %arg7[%dma_wait3A_213] : memref<5x!tpu.dma_semaphore, #tpu.memory_space<semaphore_mem>> -> memref<1x!tpu.dma_semaphore, #tpu.memory_space<semaphore_mem>>
      %dma_wait3A_222 = tpu.memref_squeeze %dma_wait3A_221 : memref<1x!tpu.dma_semaphore, #tpu.memory_space<semaphore_mem>> -> memref<!tpu.dma_semaphore, #tpu.memory_space<semaphore_mem>>
      %dma_wait3A_223 = arith.constant 0 : i32
      %dma_wait3A_224 = arith.constant 0 : i32
      %dma_wait3A_225 = tpu.memref_slice %arg6[%dma_wait3A_212, %dma_wait3A_223, %dma_wait3A_224] : memref<5x128x128xf32, #tpu.memory_space<vmem>> -> memref<1x128x128xf32, #tpu.memory_space<vmem>>
      %dma_wait3A_226 = tpu.memref_squeeze %dma_wait3A_225 : memref<1x128x128xf32, #tpu.memory_space<vmem>> -> memref<128x128xf32, #tpu.memory_space<vmem>>
      %dma_wait3A_227 = arith.constant 0 : i32
      %dma_wait3A_228 = arith.constant 0 : i32
      %dma_wait3A_229 = tpu.memref_slice %arg3[%dma_wait3A_227, %dma_wait3A_228] : memref<100000x128xf32, #tpu.memory_space<hbm>> -> memref<128x128xf32, #tpu.memory_space<hbm>>
      tpu.wait_dma2 semaphore(%dma_wait3A_222 : memref<!tpu.dma_semaphore, #tpu.memory_space<semaphore_mem>>) src(%dma_wait3A_229 : memref<128x128xf32, #tpu.memory_space<hbm>>) dst(%dma_wait3A_226 : memref<128x128xf32, #tpu.memory_space<vmem>>)
      %mul3A_230 = arith.constant 128 : i32
      %mul3A_231 = arith.muli %add3A_211, %mul3A_230 : i32
      %add3A_232 = arith.addi %mul3A_2, %mul3A_231 : i32
      %dma_start3A_233 = arith.constant 1 : i32
      %dma_start3A_234 = arith.constant 1 : i32
      %dma_start3A_235 = arith.constant 0 : i32
      %dma_start3A_236 = arith.constant 0 : i32
      %dma_start3A_237 = tpu.memref_slice %arg6[%dma_start3A_233, %dma_start3A_235, %dma_start3A_236] : memref<5x128x128xf32, #tpu.memory_space<vmem>> -> memref<1x128x128xf32, #tpu.memory_space<vmem>>
      %dma_start3A_238 = tpu.memref_squeeze %dma_start3A_237 : memref<1x128x128xf32, #tpu.memory_space<vmem>> -> memref<128x128xf32, #tpu.memory_space<vmem>>
      %dma_start3A_239 = arith.constant 0 : i32
      %dma_start3A_240 = tpu.memref_slice %arg4[%add3A_232, %dma_start3A_239] : memref<819200x128xf32, #tpu.memory_space<hbm>> -> memref<128x128xf32, #tpu.memory_space<hbm>>
      %dma_start3A_241 = tpu.memref_slice %arg8[%dma_start3A_234] : memref<5x!tpu.dma_semaphore, #tpu.memory_space<semaphore_mem>> -> memref<1x!tpu.dma_semaphore, #tpu.memory_space<semaphore_mem>>
      %dma_start3A_242 = tpu.memref_squeeze %dma_start3A_241 : memref<1x!tpu.dma_semaphore, #tpu.memory_space<semaphore_mem>> -> memref<!tpu.dma_semaphore, #tpu.memory_space<semaphore_mem>>
      %dma_start3A_243 = arith.constant 0 : i32
      %dma_start3A_244 = tpu.memref_slice %arg4[%add3A_232, %dma_start3A_243] : memref<819200x128xf32, #tpu.memory_space<hbm>> -> memref<128x128xf32, #tpu.memory_space<hbm>>
      %dma_start3A_245 = arith.constant 0 : i32
      %dma_start3A_246 = arith.constant 0 : i32
      %dma_start3A_247 = tpu.memref_slice %arg6[%dma_start3A_233, %dma_start3A_245, %dma_start3A_246] : memref<5x128x128xf32, #tpu.memory_space<vmem>> -> memref<1x128x128xf32, #tpu.memory_space<vmem>>
      %dma_start3A_248 = tpu.memref_squeeze %dma_start3A_247 : memref<1x128x128xf32, #tpu.memory_space<vmem>> -> memref<128x128xf32, #tpu.memory_space<vmem>>
      tpu.enqueue_dma source(%dma_start3A_248 : memref<128x128xf32, #tpu.memory_space<vmem>>) target(%dma_start3A_244 : memref<128x128xf32, #tpu.memory_space<hbm>>) target_semaphore(%dma_start3A_242 : memref<!tpu.dma_semaphore, #tpu.memory_space<semaphore_mem>>)
      %add3A_249 = arith.constant 5 : i32
      %add3A_250 = arith.addi %add3A_211, %add3A_249 : i32
      %lt3A_251 = arith.constant 200 : i32
      %lt3A_252 = arith.cmpi slt, %add3A_250, %lt3A_251 : i32
      %convert_element_type3A_253 = arith.extui %lt3A_252 : i1 to i32
      %cond3A_254 = arith.constant 0 : i32
      %cond3A_255 = arith.cmpi ne, %convert_element_type3A_253, %cond3A_254 : i32
      scf.if %cond3A_255 {
        %dma_wait3A_394 = arith.constant 1 : i32
        %dma_wait3A_395 = arith.constant 1 : i32
        %dma_wait3A_396 = arith.constant 0 : i32
        %dma_wait3A_397 = arith.constant 0 : i32
        %dma_wait3A_398 = tpu.memref_slice %arg6[%dma_wait3A_394, %dma_wait3A_396, %dma_wait3A_397] : memref<5x128x128xf32, #tpu.memory_space<vmem>> -> memref<1x128x128xf32, #tpu.memory_space<vmem>>
        %dma_wait3A_399 = tpu.memref_squeeze %dma_wait3A_398 : memref<1x128x128xf32, #tpu.memory_space<vmem>> -> memref<128x128xf32, #tpu.memory_space<vmem>>
        %dma_wait3A_400 = arith.constant 0 : i32
        %dma_wait3A_401 = tpu.memref_slice %arg4[%mul3A_2, %dma_wait3A_400] : memref<819200x128xf32, #tpu.memory_space<hbm>> -> memref<128x128xf32, #tpu.memory_space<hbm>>
        %dma_wait3A_402 = tpu.memref_slice %arg8[%dma_wait3A_395] : memref<5x!tpu.dma_semaphore, #tpu.memory_space<semaphore_mem>> -> memref<1x!tpu.dma_semaphore, #tpu.memory_space<semaphore_mem>>
        %dma_wait3A_403 = tpu.memref_squeeze %dma_wait3A_402 : memref<1x!tpu.dma_semaphore, #tpu.memory_space<semaphore_mem>> -> memref<!tpu.dma_semaphore, #tpu.memory_space<semaphore_mem>>
        %dma_wait3A_404 = arith.constant 0 : i32
        %dma_wait3A_405 = tpu.memref_slice %arg4[%mul3A_2, %dma_wait3A_404] : memref<819200x128xf32, #tpu.memory_space<hbm>> -> memref<128x128xf32, #tpu.memory_space<hbm>>
        %dma_wait3A_406 = arith.constant 0 : i32
        %dma_wait3A_407 = arith.constant 0 : i32
        %dma_wait3A_408 = tpu.memref_slice %arg6[%dma_wait3A_394, %dma_wait3A_406, %dma_wait3A_407] : memref<5x128x128xf32, #tpu.memory_space<vmem>> -> memref<1x128x128xf32, #tpu.memory_space<vmem>>
        %dma_wait3A_409 = tpu.memref_squeeze %dma_wait3A_408 : memref<1x128x128xf32, #tpu.memory_space<vmem>> -> memref<128x128xf32, #tpu.memory_space<vmem>>
        tpu.wait_dma2 semaphore(%dma_wait3A_403 : memref<!tpu.dma_semaphore, #tpu.memory_space<semaphore_mem>>) src(%dma_wait3A_409 : memref<128x128xf32, #tpu.memory_space<vmem>>) dst(%dma_wait3A_405 : memref<128x128xf32, #tpu.memory_space<hbm>>)
        %add3A_410 = arith.constant 5 : i32
        %add3A_411 = arith.addi %add3A_211, %add3A_410 : i32
        %dma_start3A_412 = arith.constant 1 : i32
        %dma_start3A_413 = arith.constant 1 : i32
        %dma_start3A_414 = arith.constant 0 : i32
        %dma_start3A_415 = arith.constant 0 : i32
        %dma_start3A_416 = tpu.memref_slice %arg6[%dma_start3A_412, %dma_start3A_414, %dma_start3A_415] : memref<5x128x128xf32, #tpu.memory_space<vmem>> -> memref<1x128x128xf32, #tpu.memory_space<vmem>>
        %dma_start3A_417 = tpu.memref_squeeze %dma_start3A_416 : memref<1x128x128xf32, #tpu.memory_space<vmem>> -> memref<128x128xf32, #tpu.memory_space<vmem>>
        %dma_start3A_418 = arith.constant 0 : i32
        %dma_start3A_419 = tpu.memref_slice %arg5[%add3A_411, %dma_start3A_418] : memref<200x128xi32, #tpu.memory_space<vmem>> -> memref<1x128xi32, #tpu.memory_space<vmem>>
        %dma_start3A_420 = tpu.memref_squeeze %dma_start3A_419 : memref<1x128xi32, #tpu.memory_space<vmem>> -> memref<128xi32, #tpu.memory_space<vmem>>
        %dma_start3A_421 = arith.constant 0 : i32
        %dma_start3A_422 = arith.constant 0 : i32
        %dma_start3A_423 = tpu.memref_slice %arg3[%dma_start3A_421, %dma_start3A_422] : memref<100000x128xf32, #tpu.memory_space<hbm>> -> memref<100000x128xf32, #tpu.memory_space<hbm>>
        %dma_start3A_424 = tpu.memref_slice %arg7[%dma_start3A_413] : memref<5x!tpu.dma_semaphore, #tpu.memory_space<semaphore_mem>> -> memref<1x!tpu.dma_semaphore, #tpu.memory_space<semaphore_mem>>
        %dma_start3A_425 = tpu.memref_squeeze %dma_start3A_424 : memref<1x!tpu.dma_semaphore, #tpu.memory_space<semaphore_mem>> -> memref<!tpu.dma_semaphore, #tpu.memory_space<semaphore_mem>>
        tpu.enqueue_indirect_dma source(%dma_start3A_423 : memref<100000x128xf32, #tpu.memory_space<hbm>>) target(%dma_start3A_417 : memref<128x128xf32, #tpu.memory_space<vmem>>) offsets(%dma_start3A_420 : memref<128xi32, #tpu.memory_space<vmem>>) semaphore(%dma_start3A_425 : memref<!tpu.dma_semaphore, #tpu.memory_space<semaphore_mem>>)
      } else {
      }
      %add3A_256 = arith.constant 2 : i32
      %add3A_257 = arith.addi %add3A_166, %add3A_256 : i32
      %dma_wait3A_258 = arith.constant 2 : i32
      %dma_wait3A_259 = arith.constant 2 : i32
      %dma_wait3A_260 = arith.constant 0 : i32
      %dma_wait3A_261 = arith.constant 0 : i32
      %dma_wait3A_262 = tpu.memref_slice %arg6[%dma_wait3A_258, %dma_wait3A_260, %dma_wait3A_261] : memref<5x128x128xf32, #tpu.memory_space<vmem>> -> memref<1x128x128xf32, #tpu.memory_space<vmem>>
      %dma_wait3A_263 = tpu.memref_squeeze %dma_wait3A_262 : memref<1x128x128xf32, #tpu.memory_space<vmem>> -> memref<128x128xf32, #tpu.memory_space<vmem>>
      %dma_wait3A_264 = arith.constant 0 : i32
      %dma_wait3A_265 = arith.constant 0 : i32
      %dma_wait3A_266 = tpu.memref_slice %arg3[%dma_wait3A_264, %dma_wait3A_265] : memref<100000x128xf32, #tpu.memory_space<hbm>> -> memref<128x128xf32, #tpu.memory_space<hbm>>
      %dma_wait3A_267 = tpu.memref_slice %arg7[%dma_wait3A_259] : memref<5x!tpu.dma_semaphore, #tpu.memory_space<semaphore_mem>> -> memref<1x!tpu.dma_semaphore, #tpu.memory_space<semaphore_mem>>
      %dma_wait3A_268 = tpu.memref_squeeze %dma_wait3A_267 : memref<1x!tpu.dma_semaphore, #tpu.memory_space<semaphore_mem>> -> memref<!tpu.dma_semaphore, #tpu.memory_space<semaphore_mem>>
      %dma_wait3A_269 = arith.constant 0 : i32
      %dma_wait3A_270 = arith.constant 0 : i32
      %dma_wait3A_271 = tpu.memref_slice %arg6[%dma_wait3A_258, %dma_wait3A_269, %dma_wait3A_270] : memref<5x128x128xf32, #tpu.memory_space<vmem>> -> memref<1x128x128xf32, #tpu.memory_space<vmem>>
      %dma_wait3A_272 = tpu.memref_squeeze %dma_wait3A_271 : memref<1x128x128xf32, #tpu.memory_space<vmem>> -> memref<128x128xf32, #tpu.memory_space<vmem>>
      %dma_wait3A_273 = arith.constant 0 : i32
      %dma_wait3A_274 = arith.constant 0 : i32
      %dma_wait3A_275 = tpu.memref_slice %arg3[%dma_wait3A_273, %dma_wait3A_274] : memref<100000x128xf32, #tpu.memory_space<hbm>> -> memref<128x128xf32, #tpu.memory_space<hbm>>
      tpu.wait_dma2 semaphore(%dma_wait3A_268 : memref<!tpu.dma_semaphore, #tpu.memory_space<semaphore_mem>>) src(%dma_wait3A_275 : memref<128x128xf32, #tpu.memory_space<hbm>>) dst(%dma_wait3A_272 : memref<128x128xf32, #tpu.memory_space<vmem>>)
      %mul3A_276 = arith.constant 128 : i32
      %mul3A_277 = arith.muli %add3A_257, %mul3A_276 : i32
      %add3A_278 = arith.addi %mul3A_2, %mul3A_277 : i32
      %dma_start3A_279 = arith.constant 2 : i32
      %dma_start3A_280 = arith.constant 2 : i32
      %dma_start3A_281 = arith.constant 0 : i32
      %dma_start3A_282 = arith.constant 0 : i32
      %dma_start3A_283 = tpu.memref_slice %arg6[%dma_start3A_279, %dma_start3A_281, %dma_start3A_282] : memref<5x128x128xf32, #tpu.memory_space<vmem>> -> memref<1x128x128xf32, #tpu.memory_space<vmem>>
      %dma_start3A_284 = tpu.memref_squeeze %dma_start3A_283 : memref<1x128x128xf32, #tpu.memory_space<vmem>> -> memref<128x128xf32, #tpu.memory_space<vmem>>
      %dma_start3A_285 = arith.constant 0 : i32
      %dma_start3A_286 = tpu.memref_slice %arg4[%add3A_278, %dma_start3A_285] : memref<819200x128xf32, #tpu.memory_space<hbm>> -> memref<128x128xf32, #tpu.memory_space<hbm>>
      %dma_start3A_287 = tpu.memref_slice %arg8[%dma_start3A_280] : memref<5x!tpu.dma_semaphore, #tpu.memory_space<semaphore_mem>> -> memref<1x!tpu.dma_semaphore, #tpu.memory_space<semaphore_mem>>
      %dma_start3A_288 = tpu.memref_squeeze %dma_start3A_287 : memref<1x!tpu.dma_semaphore, #tpu.memory_space<semaphore_mem>> -> memref<!tpu.dma_semaphore, #tpu.memory_space<semaphore_mem>>
      %dma_start3A_289 = arith.constant 0 : i32
      %dma_start3A_290 = tpu.memref_slice %arg4[%add3A_278, %dma_start3A_289] : memref<819200x128xf32, #tpu.memory_space<hbm>> -> memref<128x128xf32, #tpu.memory_space<hbm>>
      %dma_start3A_291 = arith.constant 0 : i32
      %dma_start3A_292 = arith.constant 0 : i32
      %dma_start3A_293 = tpu.memref_slice %arg6[%dma_start3A_279, %dma_start3A_291, %dma_start3A_292] : memref<5x128x128xf32, #tpu.memory_space<vmem>> -> memref<1x128x128xf32, #tpu.memory_space<vmem>>
      %dma_start3A_294 = tpu.memref_squeeze %dma_start3A_293 : memref<1x128x128xf32, #tpu.memory_space<vmem>> -> memref<128x128xf32, #tpu.memory_space<vmem>>
      tpu.enqueue_dma source(%dma_start3A_294 : memref<128x128xf32, #tpu.memory_space<vmem>>) target(%dma_start3A_290 : memref<128x128xf32, #tpu.memory_space<hbm>>) target_semaphore(%dma_start3A_288 : memref<!tpu.dma_semaphore, #tpu.memory_space<semaphore_mem>>)
      %add3A_295 = arith.constant 5 : i32
      %add3A_296 = arith.addi %add3A_257, %add3A_295 : i32
      %lt3A_297 = arith.constant 200 : i32
      %lt3A_298 = arith.cmpi slt, %add3A_296, %lt3A_297 : i32
      %convert_element_type3A_299 = arith.extui %lt3A_298 : i1 to i32
      %cond3A_300 = arith.constant 0 : i32
      %cond3A_301 = arith.cmpi ne, %convert_element_type3A_299, %cond3A_300 : i32
      scf.if %cond3A_301 {
        %dma_wait3A_394 = arith.constant 2 : i32
        %dma_wait3A_395 = arith.constant 2 : i32
        %dma_wait3A_396 = arith.constant 0 : i32
        %dma_wait3A_397 = arith.constant 0 : i32
        %dma_wait3A_398 = tpu.memref_slice %arg6[%dma_wait3A_394, %dma_wait3A_396, %dma_wait3A_397] : memref<5x128x128xf32, #tpu.memory_space<vmem>> -> memref<1x128x128xf32, #tpu.memory_space<vmem>>
        %dma_wait3A_399 = tpu.memref_squeeze %dma_wait3A_398 : memref<1x128x128xf32, #tpu.memory_space<vmem>> -> memref<128x128xf32, #tpu.memory_space<vmem>>
        %dma_wait3A_400 = arith.constant 0 : i32
        %dma_wait3A_401 = tpu.memref_slice %arg4[%mul3A_2, %dma_wait3A_400] : memref<819200x128xf32, #tpu.memory_space<hbm>> -> memref<128x128xf32, #tpu.memory_space<hbm>>
        %dma_wait3A_402 = tpu.memref_slice %arg8[%dma_wait3A_395] : memref<5x!tpu.dma_semaphore, #tpu.memory_space<semaphore_mem>> -> memref<1x!tpu.dma_semaphore, #tpu.memory_space<semaphore_mem>>
        %dma_wait3A_403 = tpu.memref_squeeze %dma_wait3A_402 : memref<1x!tpu.dma_semaphore, #tpu.memory_space<semaphore_mem>> -> memref<!tpu.dma_semaphore, #tpu.memory_space<semaphore_mem>>
        %dma_wait3A_404 = arith.constant 0 : i32
        %dma_wait3A_405 = tpu.memref_slice %arg4[%mul3A_2, %dma_wait3A_404] : memref<819200x128xf32, #tpu.memory_space<hbm>> -> memref<128x128xf32, #tpu.memory_space<hbm>>
        %dma_wait3A_406 = arith.constant 0 : i32
        %dma_wait3A_407 = arith.constant 0 : i32
        %dma_wait3A_408 = tpu.memref_slice %arg6[%dma_wait3A_394, %dma_wait3A_406, %dma_wait3A_407] : memref<5x128x128xf32, #tpu.memory_space<vmem>> -> memref<1x128x128xf32, #tpu.memory_space<vmem>>
        %dma_wait3A_409 = tpu.memref_squeeze %dma_wait3A_408 : memref<1x128x128xf32, #tpu.memory_space<vmem>> -> memref<128x128xf32, #tpu.memory_space<vmem>>
        tpu.wait_dma2 semaphore(%dma_wait3A_403 : memref<!tpu.dma_semaphore, #tpu.memory_space<semaphore_mem>>) src(%dma_wait3A_409 : memref<128x128xf32, #tpu.memory_space<vmem>>) dst(%dma_wait3A_405 : memref<128x128xf32, #tpu.memory_space<hbm>>)
        %add3A_410 = arith.constant 5 : i32
        %add3A_411 = arith.addi %add3A_257, %add3A_410 : i32
        %dma_start3A_412 = arith.constant 2 : i32
        %dma_start3A_413 = arith.constant 2 : i32
        %dma_start3A_414 = arith.constant 0 : i32
        %dma_start3A_415 = arith.constant 0 : i32
        %dma_start3A_416 = tpu.memref_slice %arg6[%dma_start3A_412, %dma_start3A_414, %dma_start3A_415] : memref<5x128x128xf32, #tpu.memory_space<vmem>> -> memref<1x128x128xf32, #tpu.memory_space<vmem>>
        %dma_start3A_417 = tpu.memref_squeeze %dma_start3A_416 : memref<1x128x128xf32, #tpu.memory_space<vmem>> -> memref<128x128xf32, #tpu.memory_space<vmem>>
        %dma_start3A_418 = arith.constant 0 : i32
        %dma_start3A_419 = tpu.memref_slice %arg5[%add3A_411, %dma_start3A_418] : memref<200x128xi32, #tpu.memory_space<vmem>> -> memref<1x128xi32, #tpu.memory_space<vmem>>
        %dma_start3A_420 = tpu.memref_squeeze %dma_start3A_419 : memref<1x128xi32, #tpu.memory_space<vmem>> -> memref<128xi32, #tpu.memory_space<vmem>>
        %dma_start3A_421 = arith.constant 0 : i32
        %dma_start3A_422 = arith.constant 0 : i32
        %dma_start3A_423 = tpu.memref_slice %arg3[%dma_start3A_421, %dma_start3A_422] : memref<100000x128xf32, #tpu.memory_space<hbm>> -> memref<100000x128xf32, #tpu.memory_space<hbm>>
        %dma_start3A_424 = tpu.memref_slice %arg7[%dma_start3A_413] : memref<5x!tpu.dma_semaphore, #tpu.memory_space<semaphore_mem>> -> memref<1x!tpu.dma_semaphore, #tpu.memory_space<semaphore_mem>>
        %dma_start3A_425 = tpu.memref_squeeze %dma_start3A_424 : memref<1x!tpu.dma_semaphore, #tpu.memory_space<semaphore_mem>> -> memref<!tpu.dma_semaphore, #tpu.memory_space<semaphore_mem>>
        tpu.enqueue_indirect_dma source(%dma_start3A_423 : memref<100000x128xf32, #tpu.memory_space<hbm>>) target(%dma_start3A_417 : memref<128x128xf32, #tpu.memory_space<vmem>>) offsets(%dma_start3A_420 : memref<128xi32, #tpu.memory_space<vmem>>) semaphore(%dma_start3A_425 : memref<!tpu.dma_semaphore, #tpu.memory_space<semaphore_mem>>)
      } else {
      }
      %add3A_302 = arith.constant 3 : i32
      %add3A_303 = arith.addi %add3A_166, %add3A_302 : i32
      %dma_wait3A_304 = arith.constant 3 : i32
      %dma_wait3A_305 = arith.constant 3 : i32
      %dma_wait3A_306 = arith.constant 0 : i32
      %dma_wait3A_307 = arith.constant 0 : i32
      %dma_wait3A_308 = tpu.memref_slice %arg6[%dma_wait3A_304, %dma_wait3A_306, %dma_wait3A_307] : memref<5x128x128xf32, #tpu.memory_space<vmem>> -> memref<1x128x128xf32, #tpu.memory_space<vmem>>
      %dma_wait3A_309 = tpu.memref_squeeze %dma_wait3A_308 : memref<1x128x128xf32, #tpu.memory_space<vmem>> -> memref<128x128xf32, #tpu.memory_space<vmem>>
      %dma_wait3A_310 = arith.constant 0 : i32
      %dma_wait3A_311 = arith.constant 0 : i32
      %dma_wait3A_312 = tpu.memref_slice %arg3[%dma_wait3A_310, %dma_wait3A_311] : memref<100000x128xf32, #tpu.memory_space<hbm>> -> memref<128x128xf32, #tpu.memory_space<hbm>>
      %dma_wait3A_313 = tpu.memref_slice %arg7[%dma_wait3A_305] : memref<5x!tpu.dma_semaphore, #tpu.memory_space<semaphore_mem>> -> memref<1x!tpu.dma_semaphore, #tpu.memory_space<semaphore_mem>>
      %dma_wait3A_314 = tpu.memref_squeeze %dma_wait3A_313 : memref<1x!tpu.dma_semaphore, #tpu.memory_space<semaphore_mem>> -> memref<!tpu.dma_semaphore, #tpu.memory_space<semaphore_mem>>
      %dma_wait3A_315 = arith.constant 0 : i32
      %dma_wait3A_316 = arith.constant 0 : i32
      %dma_wait3A_317 = tpu.memref_slice %arg6[%dma_wait3A_304, %dma_wait3A_315, %dma_wait3A_316] : memref<5x128x128xf32, #tpu.memory_space<vmem>> -> memref<1x128x128xf32, #tpu.memory_space<vmem>>
      %dma_wait3A_318 = tpu.memref_squeeze %dma_wait3A_317 : memref<1x128x128xf32, #tpu.memory_space<vmem>> -> memref<128x128xf32, #tpu.memory_space<vmem>>
      %dma_wait3A_319 = arith.constant 0 : i32
      %dma_wait3A_320 = arith.constant 0 : i32
      %dma_wait3A_321 = tpu.memref_slice %arg3[%dma_wait3A_319, %dma_wait3A_320] : memref<100000x128xf32, #tpu.memory_space<hbm>> -> memref<128x128xf32, #tpu.memory_space<hbm>>
      tpu.wait_dma2 semaphore(%dma_wait3A_314 : memref<!tpu.dma_semaphore, #tpu.memory_space<semaphore_mem>>) src(%dma_wait3A_321 : memref<128x128xf32, #tpu.memory_space<hbm>>) dst(%dma_wait3A_318 : memref<128x128xf32, #tpu.memory_space<vmem>>)
      %mul3A_322 = arith.constant 128 : i32
      %mul3A_323 = arith.muli %add3A_303, %mul3A_322 : i32
      %add3A_324 = arith.addi %mul3A_2, %mul3A_323 : i32
      %dma_start3A_325 = arith.constant 3 : i32
      %dma_start3A_326 = arith.constant 3 : i32
      %dma_start3A_327 = arith.constant 0 : i32
      %dma_start3A_328 = arith.constant 0 : i32
      %dma_start3A_329 = tpu.memref_slice %arg6[%dma_start3A_325, %dma_start3A_327, %dma_start3A_328] : memref<5x128x128xf32, #tpu.memory_space<vmem>> -> memref<1x128x128xf32, #tpu.memory_space<vmem>>
      %dma_start3A_330 = tpu.memref_squeeze %dma_start3A_329 : memref<1x128x128xf32, #tpu.memory_space<vmem>> -> memref<128x128xf32, #tpu.memory_space<vmem>>
      %dma_start3A_331 = arith.constant 0 : i32
      %dma_start3A_332 = tpu.memref_slice %arg4[%add3A_324, %dma_start3A_331] : memref<819200x128xf32, #tpu.memory_space<hbm>> -> memref<128x128xf32, #tpu.memory_space<hbm>>
      %dma_start3A_333 = tpu.memref_slice %arg8[%dma_start3A_326] : memref<5x!tpu.dma_semaphore, #tpu.memory_space<semaphore_mem>> -> memref<1x!tpu.dma_semaphore, #tpu.memory_space<semaphore_mem>>
      %dma_start3A_334 = tpu.memref_squeeze %dma_start3A_333 : memref<1x!tpu.dma_semaphore, #tpu.memory_space<semaphore_mem>> -> memref<!tpu.dma_semaphore, #tpu.memory_space<semaphore_mem>>
      %dma_start3A_335 = arith.constant 0 : i32
      %dma_start3A_336 = tpu.memref_slice %arg4[%add3A_324, %dma_start3A_335] : memref<819200x128xf32, #tpu.memory_space<hbm>> -> memref<128x128xf32, #tpu.memory_space<hbm>>
      %dma_start3A_337 = arith.constant 0 : i32
      %dma_start3A_338 = arith.constant 0 : i32
      %dma_start3A_339 = tpu.memref_slice %arg6[%dma_start3A_325, %dma_start3A_337, %dma_start3A_338] : memref<5x128x128xf32, #tpu.memory_space<vmem>> -> memref<1x128x128xf32, #tpu.memory_space<vmem>>
      %dma_start3A_340 = tpu.memref_squeeze %dma_start3A_339 : memref<1x128x128xf32, #tpu.memory_space<vmem>> -> memref<128x128xf32, #tpu.memory_space<vmem>>
      tpu.enqueue_dma source(%dma_start3A_340 : memref<128x128xf32, #tpu.memory_space<vmem>>) target(%dma_start3A_336 : memref<128x128xf32, #tpu.memory_space<hbm>>) target_semaphore(%dma_start3A_334 : memref<!tpu.dma_semaphore, #tpu.memory_space<semaphore_mem>>)
      %add3A_341 = arith.constant 5 : i32
      %add3A_342 = arith.addi %add3A_303, %add3A_341 : i32
      %lt3A_343 = arith.constant 200 : i32
      %lt3A_344 = arith.cmpi slt, %add3A_342, %lt3A_343 : i32
      %convert_element_type3A_345 = arith.extui %lt3A_344 : i1 to i32
      %cond3A_346 = arith.constant 0 : i32
      %cond3A_347 = arith.cmpi ne, %convert_element_type3A_345, %cond3A_346 : i32
      scf.if %cond3A_347 {
        %dma_wait3A_394 = arith.constant 3 : i32
        %dma_wait3A_395 = arith.constant 3 : i32
        %dma_wait3A_396 = arith.constant 0 : i32
        %dma_wait3A_397 = arith.constant 0 : i32
        %dma_wait3A_398 = tpu.memref_slice %arg6[%dma_wait3A_394, %dma_wait3A_396, %dma_wait3A_397] : memref<5x128x128xf32, #tpu.memory_space<vmem>> -> memref<1x128x128xf32, #tpu.memory_space<vmem>>
        %dma_wait3A_399 = tpu.memref_squeeze %dma_wait3A_398 : memref<1x128x128xf32, #tpu.memory_space<vmem>> -> memref<128x128xf32, #tpu.memory_space<vmem>>
        %dma_wait3A_400 = arith.constant 0 : i32
        %dma_wait3A_401 = tpu.memref_slice %arg4[%mul3A_2, %dma_wait3A_400] : memref<819200x128xf32, #tpu.memory_space<hbm>> -> memref<128x128xf32, #tpu.memory_space<hbm>>
        %dma_wait3A_402 = tpu.memref_slice %arg8[%dma_wait3A_395] : memref<5x!tpu.dma_semaphore, #tpu.memory_space<semaphore_mem>> -> memref<1x!tpu.dma_semaphore, #tpu.memory_space<semaphore_mem>>
        %dma_wait3A_403 = tpu.memref_squeeze %dma_wait3A_402 : memref<1x!tpu.dma_semaphore, #tpu.memory_space<semaphore_mem>> -> memref<!tpu.dma_semaphore, #tpu.memory_space<semaphore_mem>>
        %dma_wait3A_404 = arith.constant 0 : i32
        %dma_wait3A_405 = tpu.memref_slice %arg4[%mul3A_2, %dma_wait3A_404] : memref<819200x128xf32, #tpu.memory_space<hbm>> -> memref<128x128xf32, #tpu.memory_space<hbm>>
        %dma_wait3A_406 = arith.constant 0 : i32
        %dma_wait3A_407 = arith.constant 0 : i32
        %dma_wait3A_408 = tpu.memref_slice %arg6[%dma_wait3A_394, %dma_wait3A_406, %dma_wait3A_407] : memref<5x128x128xf32, #tpu.memory_space<vmem>> -> memref<1x128x128xf32, #tpu.memory_space<vmem>>
        %dma_wait3A_409 = tpu.memref_squeeze %dma_wait3A_408 : memref<1x128x128xf32, #tpu.memory_space<vmem>> -> memref<128x128xf32, #tpu.memory_space<vmem>>
        tpu.wait_dma2 semaphore(%dma_wait3A_403 : memref<!tpu.dma_semaphore, #tpu.memory_space<semaphore_mem>>) src(%dma_wait3A_409 : memref<128x128xf32, #tpu.memory_space<vmem>>) dst(%dma_wait3A_405 : memref<128x128xf32, #tpu.memory_space<hbm>>)
        %add3A_410 = arith.constant 5 : i32
        %add3A_411 = arith.addi %add3A_303, %add3A_410 : i32
        %dma_start3A_412 = arith.constant 3 : i32
        %dma_start3A_413 = arith.constant 3 : i32
        %dma_start3A_414 = arith.constant 0 : i32
        %dma_start3A_415 = arith.constant 0 : i32
        %dma_start3A_416 = tpu.memref_slice %arg6[%dma_start3A_412, %dma_start3A_414, %dma_start3A_415] : memref<5x128x128xf32, #tpu.memory_space<vmem>> -> memref<1x128x128xf32, #tpu.memory_space<vmem>>
        %dma_start3A_417 = tpu.memref_squeeze %dma_start3A_416 : memref<1x128x128xf32, #tpu.memory_space<vmem>> -> memref<128x128xf32, #tpu.memory_space<vmem>>
        %dma_start3A_418 = arith.constant 0 : i32
        %dma_start3A_419 = tpu.memref_slice %arg5[%add3A_411, %dma_start3A_418] : memref<200x128xi32, #tpu.memory_space<vmem>> -> memref<1x128xi32, #tpu.memory_space<vmem>>
        %dma_start3A_420 = tpu.memref_squeeze %dma_start3A_419 : memref<1x128xi32, #tpu.memory_space<vmem>> -> memref<128xi32, #tpu.memory_space<vmem>>
        %dma_start3A_421 = arith.constant 0 : i32
        %dma_start3A_422 = arith.constant 0 : i32
        %dma_start3A_423 = tpu.memref_slice %arg3[%dma_start3A_421, %dma_start3A_422] : memref<100000x128xf32, #tpu.memory_space<hbm>> -> memref<100000x128xf32, #tpu.memory_space<hbm>>
        %dma_start3A_424 = tpu.memref_slice %arg7[%dma_start3A_413] : memref<5x!tpu.dma_semaphore, #tpu.memory_space<semaphore_mem>> -> memref<1x!tpu.dma_semaphore, #tpu.memory_space<semaphore_mem>>
        %dma_start3A_425 = tpu.memref_squeeze %dma_start3A_424 : memref<1x!tpu.dma_semaphore, #tpu.memory_space<semaphore_mem>> -> memref<!tpu.dma_semaphore, #tpu.memory_space<semaphore_mem>>
        tpu.enqueue_indirect_dma source(%dma_start3A_423 : memref<100000x128xf32, #tpu.memory_space<hbm>>) target(%dma_start3A_417 : memref<128x128xf32, #tpu.memory_space<vmem>>) offsets(%dma_start3A_420 : memref<128xi32, #tpu.memory_space<vmem>>) semaphore(%dma_start3A_425 : memref<!tpu.dma_semaphore, #tpu.memory_space<semaphore_mem>>)
      } else {
      }
      %add3A_348 = arith.constant 4 : i32
      %add3A_349 = arith.addi %add3A_166, %add3A_348 : i32
      %dma_wait3A_350 = arith.constant 4 : i32
      %dma_wait3A_351 = arith.constant 4 : i32
      %dma_wait3A_352 = arith.constant 0 : i32
      %dma_wait3A_353 = arith.constant 0 : i32
      %dma_wait3A_354 = tpu.memref_slice %arg6[%dma_wait3A_350, %dma_wait3A_352, %dma_wait3A_353] : memref<5x128x128xf32, #tpu.memory_space<vmem>> -> memref<1x128x128xf32, #tpu.memory_space<vmem>>
      %dma_wait3A_355 = tpu.memref_squeeze %dma_wait3A_354 : memref<1x128x128xf32, #tpu.memory_space<vmem>> -> memref<128x128xf32, #tpu.memory_space<vmem>>
      %dma_wait3A_356 = arith.constant 0 : i32
      %dma_wait3A_357 = arith.constant 0 : i32
      %dma_wait3A_358 = tpu.memref_slice %arg3[%dma_wait3A_356, %dma_wait3A_357] : memref<100000x128xf32, #tpu.memory_space<hbm>> -> memref<128x128xf32, #tpu.memory_space<hbm>>
      %dma_wait3A_359 = tpu.memref_slice %arg7[%dma_wait3A_351] : memref<5x!tpu.dma_semaphore, #tpu.memory_space<semaphore_mem>> -> memref<1x!tpu.dma_semaphore, #tpu.memory_space<semaphore_mem>>
      %dma_wait3A_360 = tpu.memref_squeeze %dma_wait3A_359 : memref<1x!tpu.dma_semaphore, #tpu.memory_space<semaphore_mem>> -> memref<!tpu.dma_semaphore, #tpu.memory_space<semaphore_mem>>
      %dma_wait3A_361 = arith.constant 0 : i32
      %dma_wait3A_362 = arith.constant 0 : i32
      %dma_wait3A_363 = tpu.memref_slice %arg6[%dma_wait3A_350, %dma_wait3A_361, %dma_wait3A_362] : memref<5x128x128xf32, #tpu.memory_space<vmem>> -> memref<1x128x128xf32, #tpu.memory_space<vmem>>
      %dma_wait3A_364 = tpu.memref_squeeze %dma_wait3A_363 : memref<1x128x128xf32, #tpu.memory_space<vmem>> -> memref<128x128xf32, #tpu.memory_space<vmem>>
      %dma_wait3A_365 = arith.constant 0 : i32
      %dma_wait3A_366 = arith.constant 0 : i32
      %dma_wait3A_367 = tpu.memref_slice %arg3[%dma_wait3A_365, %dma_wait3A_366] : memref<100000x128xf32, #tpu.memory_space<hbm>> -> memref<128x128xf32, #tpu.memory_space<hbm>>
      tpu.wait_dma2 semaphore(%dma_wait3A_360 : memref<!tpu.dma_semaphore, #tpu.memory_space<semaphore_mem>>) src(%dma_wait3A_367 : memref<128x128xf32, #tpu.memory_space<hbm>>) dst(%dma_wait3A_364 : memref<128x128xf32, #tpu.memory_space<vmem>>)
      %mul3A_368 = arith.constant 128 : i32
      %mul3A_369 = arith.muli %add3A_349, %mul3A_368 : i32
      %add3A_370 = arith.addi %mul3A_2, %mul3A_369 : i32
      %dma_start3A_371 = arith.constant 4 : i32
      %dma_start3A_372 = arith.constant 4 : i32
      %dma_start3A_373 = arith.constant 0 : i32
      %dma_start3A_374 = arith.constant 0 : i32
      %dma_start3A_375 = tpu.memref_slice %arg6[%dma_start3A_371, %dma_start3A_373, %dma_start3A_374] : memref<5x128x128xf32, #tpu.memory_space<vmem>> -> memref<1x128x128xf32, #tpu.memory_space<vmem>>
      %dma_start3A_376 = tpu.memref_squeeze %dma_start3A_375 : memref<1x128x128xf32, #tpu.memory_space<vmem>> -> memref<128x128xf32, #tpu.memory_space<vmem>>
      %dma_start3A_377 = arith.constant 0 : i32
      %dma_start3A_378 = tpu.memref_slice %arg4[%add3A_370, %dma_start3A_377] : memref<819200x128xf32, #tpu.memory_space<hbm>> -> memref<128x128xf32, #tpu.memory_space<hbm>>
      %dma_start3A_379 = tpu.memref_slice %arg8[%dma_start3A_372] : memref<5x!tpu.dma_semaphore, #tpu.memory_space<semaphore_mem>> -> memref<1x!tpu.dma_semaphore, #tpu.memory_space<semaphore_mem>>
      %dma_start3A_380 = tpu.memref_squeeze %dma_start3A_379 : memref<1x!tpu.dma_semaphore, #tpu.memory_space<semaphore_mem>> -> memref<!tpu.dma_semaphore, #tpu.memory_space<semaphore_mem>>
      %dma_start3A_381 = arith.constant 0 : i32
      %dma_start3A_382 = tpu.memref_slice %arg4[%add3A_370, %dma_start3A_381] : memref<819200x128xf32, #tpu.memory_space<hbm>> -> memref<128x128xf32, #tpu.memory_space<hbm>>
      %dma_start3A_383 = arith.constant 0 : i32
      %dma_start3A_384 = arith.constant 0 : i32
      %dma_start3A_385 = tpu.memref_slice %arg6[%dma_start3A_371, %dma_start3A_383, %dma_start3A_384] : memref<5x128x128xf32, #tpu.memory_space<vmem>> -> memref<1x128x128xf32, #tpu.memory_space<vmem>>
      %dma_start3A_386 = tpu.memref_squeeze %dma_start3A_385 : memref<1x128x128xf32, #tpu.memory_space<vmem>> -> memref<128x128xf32, #tpu.memory_space<vmem>>
      tpu.enqueue_dma source(%dma_start3A_386 : memref<128x128xf32, #tpu.memory_space<vmem>>) target(%dma_start3A_382 : memref<128x128xf32, #tpu.memory_space<hbm>>) target_semaphore(%dma_start3A_380 : memref<!tpu.dma_semaphore, #tpu.memory_space<semaphore_mem>>)
      %add3A_387 = arith.constant 5 : i32
      %add3A_388 = arith.addi %add3A_349, %add3A_387 : i32
      %lt3A_389 = arith.constant 200 : i32
      %lt3A_390 = arith.cmpi slt, %add3A_388, %lt3A_389 : i32
      %convert_element_type3A_391 = arith.extui %lt3A_390 : i1 to i32
      %cond3A_392 = arith.constant 0 : i32
      %cond3A_393 = arith.cmpi ne, %convert_element_type3A_391, %cond3A_392 : i32
      scf.if %cond3A_393 {
        %dma_wait3A_394 = arith.constant 4 : i32
        %dma_wait3A_395 = arith.constant 4 : i32
        %dma_wait3A_396 = arith.constant 0 : i32
        %dma_wait3A_397 = arith.constant 0 : i32
        %dma_wait3A_398 = tpu.memref_slice %arg6[%dma_wait3A_394, %dma_wait3A_396, %dma_wait3A_397] : memref<5x128x128xf32, #tpu.memory_space<vmem>> -> memref<1x128x128xf32, #tpu.memory_space<vmem>>
        %dma_wait3A_399 = tpu.memref_squeeze %dma_wait3A_398 : memref<1x128x128xf32, #tpu.memory_space<vmem>> -> memref<128x128xf32, #tpu.memory_space<vmem>>
        %dma_wait3A_400 = arith.constant 0 : i32
        %dma_wait3A_401 = tpu.memref_slice %arg4[%mul3A_2, %dma_wait3A_400] : memref<819200x128xf32, #tpu.memory_space<hbm>> -> memref<128x128xf32, #tpu.memory_space<hbm>>
        %dma_wait3A_402 = tpu.memref_slice %arg8[%dma_wait3A_395] : memref<5x!tpu.dma_semaphore, #tpu.memory_space<semaphore_mem>> -> memref<1x!tpu.dma_semaphore, #tpu.memory_space<semaphore_mem>>
        %dma_wait3A_403 = tpu.memref_squeeze %dma_wait3A_402 : memref<1x!tpu.dma_semaphore, #tpu.memory_space<semaphore_mem>> -> memref<!tpu.dma_semaphore, #tpu.memory_space<semaphore_mem>>
        %dma_wait3A_404 = arith.constant 0 : i32
        %dma_wait3A_405 = tpu.memref_slice %arg4[%mul3A_2, %dma_wait3A_404] : memref<819200x128xf32, #tpu.memory_space<hbm>> -> memref<128x128xf32, #tpu.memory_space<hbm>>
        %dma_wait3A_406 = arith.constant 0 : i32
        %dma_wait3A_407 = arith.constant 0 : i32
        %dma_wait3A_408 = tpu.memref_slice %arg6[%dma_wait3A_394, %dma_wait3A_406, %dma_wait3A_407] : memref<5x128x128xf32, #tpu.memory_space<vmem>> -> memref<1x128x128xf32, #tpu.memory_space<vmem>>
        %dma_wait3A_409 = tpu.memref_squeeze %dma_wait3A_408 : memref<1x128x128xf32, #tpu.memory_space<vmem>> -> memref<128x128xf32, #tpu.memory_space<vmem>>
        tpu.wait_dma2 semaphore(%dma_wait3A_403 : memref<!tpu.dma_semaphore, #tpu.memory_space<semaphore_mem>>) src(%dma_wait3A_409 : memref<128x128xf32, #tpu.memory_space<vmem>>) dst(%dma_wait3A_405 : memref<128x128xf32, #tpu.memory_space<hbm>>)
        %add3A_410 = arith.constant 5 : i32
        %add3A_411 = arith.addi %add3A_349, %add3A_410 : i32
        %dma_start3A_412 = arith.constant 4 : i32
        %dma_start3A_413 = arith.constant 4 : i32
        %dma_start3A_414 = arith.constant 0 : i32
        %dma_start3A_415 = arith.constant 0 : i32
        %dma_start3A_416 = tpu.memref_slice %arg6[%dma_start3A_412, %dma_start3A_414, %dma_start3A_415] : memref<5x128x128xf32, #tpu.memory_space<vmem>> -> memref<1x128x128xf32, #tpu.memory_space<vmem>>
        %dma_start3A_417 = tpu.memref_squeeze %dma_start3A_416 : memref<1x128x128xf32, #tpu.memory_space<vmem>> -> memref<128x128xf32, #tpu.memory_space<vmem>>
        %dma_start3A_418 = arith.constant 0 : i32
        %dma_start3A_419 = tpu.memref_slice %arg5[%add3A_411, %dma_start3A_418] : memref<200x128xi32, #tpu.memory_space<vmem>> -> memref<1x128xi32, #tpu.memory_space<vmem>>
        %dma_start3A_420 = tpu.memref_squeeze %dma_start3A_419 : memref<1x128xi32, #tpu.memory_space<vmem>> -> memref<128xi32, #tpu.memory_space<vmem>>
        %dma_start3A_421 = arith.constant 0 : i32
        %dma_start3A_422 = arith.constant 0 : i32
        %dma_start3A_423 = tpu.memref_slice %arg3[%dma_start3A_421, %dma_start3A_422] : memref<100000x128xf32, #tpu.memory_space<hbm>> -> memref<100000x128xf32, #tpu.memory_space<hbm>>
        %dma_start3A_424 = tpu.memref_slice %arg7[%dma_start3A_413] : memref<5x!tpu.dma_semaphore, #tpu.memory_space<semaphore_mem>> -> memref<1x!tpu.dma_semaphore, #tpu.memory_space<semaphore_mem>>
        %dma_start3A_425 = tpu.memref_squeeze %dma_start3A_424 : memref<1x!tpu.dma_semaphore, #tpu.memory_space<semaphore_mem>> -> memref<!tpu.dma_semaphore, #tpu.memory_space<semaphore_mem>>
        tpu.enqueue_indirect_dma source(%dma_start3A_423 : memref<100000x128xf32, #tpu.memory_space<hbm>>) target(%dma_start3A_417 : memref<128x128xf32, #tpu.memory_space<vmem>>) offsets(%dma_start3A_420 : memref<128xi32, #tpu.memory_space<vmem>>) semaphore(%dma_start3A_425 : memref<!tpu.dma_semaphore, #tpu.memory_space<semaphore_mem>>)
      } else {
      }
    }
    %scan3A_82 = arith.constant 40 : i32
    %dma_wait3A = arith.constant 0 : i32
    %dma_wait3A_83 = arith.constant 0 : i32
    %dma_wait3A_84 = arith.constant 0 : i32
    %dma_wait3A_85 = arith.constant 0 : i32
    %dma_wait3A_86 = tpu.memref_slice %arg6[%dma_wait3A, %dma_wait3A_84, %dma_wait3A_85] : memref<5x128x128xf32, #tpu.memory_space<vmem>> -> memref<1x128x128xf32, #tpu.memory_space<vmem>>
    %dma_wait3A_87 = tpu.memref_squeeze %dma_wait3A_86 : memref<1x128x128xf32, #tpu.memory_space<vmem>> -> memref<128x128xf32, #tpu.memory_space<vmem>>
    %dma_wait3A_88 = arith.constant 0 : i32
    %dma_wait3A_89 = tpu.memref_slice %arg4[%mul3A_2, %dma_wait3A_88] : memref<819200x128xf32, #tpu.memory_space<hbm>> -> memref<128x128xf32, #tpu.memory_space<hbm>>
    %dma_wait3A_90 = tpu.memref_slice %arg8[%dma_wait3A_83] : memref<5x!tpu.dma_semaphore, #tpu.memory_space<semaphore_mem>> -> memref<1x!tpu.dma_semaphore, #tpu.memory_space<semaphore_mem>>
    %dma_wait3A_91 = tpu.memref_squeeze %dma_wait3A_90 : memref<1x!tpu.dma_semaphore, #tpu.memory_space<semaphore_mem>> -> memref<!tpu.dma_semaphore, #tpu.memory_space<semaphore_mem>>
    %dma_wait3A_92 = arith.constant 0 : i32
    %dma_wait3A_93 = tpu.memref_slice %arg4[%mul3A_2, %dma_wait3A_92] : memref<819200x128xf32, #tpu.memory_space<hbm>> -> memref<128x128xf32, #tpu.memory_space<hbm>>
    %dma_wait3A_94 = arith.constant 0 : i32
    %dma_wait3A_95 = arith.constant 0 : i32
    %dma_wait3A_96 = tpu.memref_slice %arg6[%dma_wait3A, %dma_wait3A_94, %dma_wait3A_95] : memref<5x128x128xf32, #tpu.memory_space<vmem>> -> memref<1x128x128xf32, #tpu.memory_space<vmem>>
    %dma_wait3A_97 = tpu.memref_squeeze %dma_wait3A_96 : memref<1x128x128xf32, #tpu.memory_space<vmem>> -> memref<128x128xf32, #tpu.memory_space<vmem>>
    tpu.wait_dma2 semaphore(%dma_wait3A_91 : memref<!tpu.dma_semaphore, #tpu.memory_space<semaphore_mem>>) src(%dma_wait3A_97 : memref<128x128xf32, #tpu.memory_space<vmem>>) dst(%dma_wait3A_93 : memref<128x128xf32, #tpu.memory_space<hbm>>)
    %dma_wait3A_98 = arith.constant 1 : i32
    %dma_wait3A_99 = arith.constant 1 : i32
    %dma_wait3A_100 = arith.constant 0 : i32
    %dma_wait3A_101 = arith.constant 0 : i32
    %dma_wait3A_102 = tpu.memref_slice %arg6[%dma_wait3A_98, %dma_wait3A_100, %dma_wait3A_101] : memref<5x128x128xf32, #tpu.memory_space<vmem>> -> memref<1x128x128xf32, #tpu.memory_space<vmem>>
    %dma_wait3A_103 = tpu.memref_squeeze %dma_wait3A_102 : memref<1x128x128xf32, #tpu.memory_space<vmem>> -> memref<128x128xf32, #tpu.memory_space<vmem>>
    %dma_wait3A_104 = arith.constant 0 : i32
    %dma_wait3A_105 = tpu.memref_slice %arg4[%mul3A_2, %dma_wait3A_104] : memref<819200x128xf32, #tpu.memory_space<hbm>> -> memref<128x128xf32, #tpu.memory_space<hbm>>
    %dma_wait3A_106 = tpu.memref_slice %arg8[%dma_wait3A_99] : memref<5x!tpu.dma_semaphore, #tpu.memory_space<semaphore_mem>> -> memref<1x!tpu.dma_semaphore, #tpu.memory_space<semaphore_mem>>
    %dma_wait3A_107 = tpu.memref_squeeze %dma_wait3A_106 : memref<1x!tpu.dma_semaphore, #tpu.memory_space<semaphore_mem>> -> memref<!tpu.dma_semaphore, #tpu.memory_space<semaphore_mem>>
    %dma_wait3A_108 = arith.constant 0 : i32
    %dma_wait3A_109 = tpu.memref_slice %arg4[%mul3A_2, %dma_wait3A_108] : memref<819200x128xf32, #tpu.memory_space<hbm>> -> memref<128x128xf32, #tpu.memory_space<hbm>>
    %dma_wait3A_110 = arith.constant 0 : i32
    %dma_wait3A_111 = arith.constant 0 : i32
    %dma_wait3A_112 = tpu.memref_slice %arg6[%dma_wait3A_98, %dma_wait3A_110, %dma_wait3A_111] : memref<5x128x128xf32, #tpu.memory_space<vmem>> -> memref<1x128x128xf32, #tpu.memory_space<vmem>>
    %dma_wait3A_113 = tpu.memref_squeeze %dma_wait3A_112 : memref<1x128x128xf32, #tpu.memory_space<vmem>> -> memref<128x128xf32, #tpu.memory_space<vmem>>
    tpu.wait_dma2 semaphore(%dma_wait3A_107 : memref<!tpu.dma_semaphore, #tpu.memory_space<semaphore_mem>>) src(%dma_wait3A_113 : memref<128x128xf32, #tpu.memory_space<vmem>>) dst(%dma_wait3A_109 : memref<128x128xf32, #tpu.memory_space<hbm>>)
    %dma_wait3A_114 = arith.constant 2 : i32
    %dma_wait3A_115 = arith.constant 2 : i32
    %dma_wait3A_116 = arith.constant 0 : i32
    %dma_wait3A_117 = arith.constant 0 : i32
    %dma_wait3A_118 = tpu.memref_slice %arg6[%dma_wait3A_114, %dma_wait3A_116, %dma_wait3A_117] : memref<5x128x128xf32, #tpu.memory_space<vmem>> -> memref<1x128x128xf32, #tpu.memory_space<vmem>>
    %dma_wait3A_119 = tpu.memref_squeeze %dma_wait3A_118 : memref<1x128x128xf32, #tpu.memory_space<vmem>> -> memref<128x128xf32, #tpu.memory_space<vmem>>
    %dma_wait3A_120 = arith.constant 0 : i32
    %dma_wait3A_121 = tpu.memref_slice %arg4[%mul3A_2, %dma_wait3A_120] : memref<819200x128xf32, #tpu.memory_space<hbm>> -> memref<128x128xf32, #tpu.memory_space<hbm>>
    %dma_wait3A_122 = tpu.memref_slice %arg8[%dma_wait3A_115] : memref<5x!tpu.dma_semaphore, #tpu.memory_space<semaphore_mem>> -> memref<1x!tpu.dma_semaphore, #tpu.memory_space<semaphore_mem>>
    %dma_wait3A_123 = tpu.memref_squeeze %dma_wait3A_122 : memref<1x!tpu.dma_semaphore, #tpu.memory_space<semaphore_mem>> -> memref<!tpu.dma_semaphore, #tpu.memory_space<semaphore_mem>>
    %dma_wait3A_124 = arith.constant 0 : i32
    %dma_wait3A_125 = tpu.memref_slice %arg4[%mul3A_2, %dma_wait3A_124] : memref<819200x128xf32, #tpu.memory_space<hbm>> -> memref<128x128xf32, #tpu.memory_space<hbm>>
    %dma_wait3A_126 = arith.constant 0 : i32
    %dma_wait3A_127 = arith.constant 0 : i32
    %dma_wait3A_128 = tpu.memref_slice %arg6[%dma_wait3A_114, %dma_wait3A_126, %dma_wait3A_127] : memref<5x128x128xf32, #tpu.memory_space<vmem>> -> memref<1x128x128xf32, #tpu.memory_space<vmem>>
    %dma_wait3A_129 = tpu.memref_squeeze %dma_wait3A_128 : memref<1x128x128xf32, #tpu.memory_space<vmem>> -> memref<128x128xf32, #tpu.memory_space<vmem>>
    tpu.wait_dma2 semaphore(%dma_wait3A_123 : memref<!tpu.dma_semaphore, #tpu.memory_space<semaphore_mem>>) src(%dma_wait3A_129 : memref<128x128xf32, #tpu.memory_space<vmem>>) dst(%dma_wait3A_125 : memref<128x128xf32, #tpu.memory_space<hbm>>)
    %dma_wait3A_130 = arith.constant 3 : i32
    %dma_wait3A_131 = arith.constant 3 : i32
    %dma_wait3A_132 = arith.constant 0 : i32
    %dma_wait3A_133 = arith.constant 0 : i32
    %dma_wait3A_134 = tpu.memref_slice %arg6[%dma_wait3A_130, %dma_wait3A_132, %dma_wait3A_133] : memref<5x128x128xf32, #tpu.memory_space<vmem>> -> memref<1x128x128xf32, #tpu.memory_space<vmem>>
    %dma_wait3A_135 = tpu.memref_squeeze %dma_wait3A_134 : memref<1x128x128xf32, #tpu.memory_space<vmem>> -> memref<128x128xf32, #tpu.memory_space<vmem>>
    %dma_wait3A_136 = arith.constant 0 : i32
    %dma_wait3A_137 = tpu.memref_slice %arg4[%mul3A_2, %dma_wait3A_136] : memref<819200x128xf32, #tpu.memory_space<hbm>> -> memref<128x128xf32, #tpu.memory_space<hbm>>
    %dma_wait3A_138 = tpu.memref_slice %arg8[%dma_wait3A_131] : memref<5x!tpu.dma_semaphore, #tpu.memory_space<semaphore_mem>> -> memref<1x!tpu.dma_semaphore, #tpu.memory_space<semaphore_mem>>
    %dma_wait3A_139 = tpu.memref_squeeze %dma_wait3A_138 : memref<1x!tpu.dma_semaphore, #tpu.memory_space<semaphore_mem>> -> memref<!tpu.dma_semaphore, #tpu.memory_space<semaphore_mem>>
    %dma_wait3A_140 = arith.constant 0 : i32
    %dma_wait3A_141 = tpu.memref_slice %arg4[%mul3A_2, %dma_wait3A_140] : memref<819200x128xf32, #tpu.memory_space<hbm>> -> memref<128x128xf32, #tpu.memory_space<hbm>>
    %dma_wait3A_142 = arith.constant 0 : i32
    %dma_wait3A_143 = arith.constant 0 : i32
    %dma_wait3A_144 = tpu.memref_slice %arg6[%dma_wait3A_130, %dma_wait3A_142, %dma_wait3A_143] : memref<5x128x128xf32, #tpu.memory_space<vmem>> -> memref<1x128x128xf32, #tpu.memory_space<vmem>>
    %dma_wait3A_145 = tpu.memref_squeeze %dma_wait3A_144 : memref<1x128x128xf32, #tpu.memory_space<vmem>> -> memref<128x128xf32, #tpu.memory_space<vmem>>
    tpu.wait_dma2 semaphore(%dma_wait3A_139 : memref<!tpu.dma_semaphore, #tpu.memory_space<semaphore_mem>>) src(%dma_wait3A_145 : memref<128x128xf32, #tpu.memory_space<vmem>>) dst(%dma_wait3A_141 : memref<128x128xf32, #tpu.memory_space<hbm>>)
    %dma_wait3A_146 = arith.constant 4 : i32
    %dma_wait3A_147 = arith.constant 4 : i32
    %dma_wait3A_148 = arith.constant 0 : i32
    %dma_wait3A_149 = arith.constant 0 : i32
    %dma_wait3A_150 = tpu.memref_slice %arg6[%dma_wait3A_146, %dma_wait3A_148, %dma_wait3A_149] : memref<5x128x128xf32, #tpu.memory_space<vmem>> -> memref<1x128x128xf32, #tpu.memory_space<vmem>>
    %dma_wait3A_151 = tpu.memref_squeeze %dma_wait3A_150 : memref<1x128x128xf32, #tpu.memory_space<vmem>> -> memref<128x128xf32, #tpu.memory_space<vmem>>
    %dma_wait3A_152 = arith.constant 0 : i32
    %dma_wait3A_153 = tpu.memref_slice %arg4[%mul3A_2, %dma_wait3A_152] : memref<819200x128xf32, #tpu.memory_space<hbm>> -> memref<128x128xf32, #tpu.memory_space<hbm>>
    %dma_wait3A_154 = tpu.memref_slice %arg8[%dma_wait3A_147] : memref<5x!tpu.dma_semaphore, #tpu.memory_space<semaphore_mem>> -> memref<1x!tpu.dma_semaphore, #tpu.memory_space<semaphore_mem>>
    %dma_wait3A_155 = tpu.memref_squeeze %dma_wait3A_154 : memref<1x!tpu.dma_semaphore, #tpu.memory_space<semaphore_mem>> -> memref<!tpu.dma_semaphore, #tpu.memory_space<semaphore_mem>>
    %dma_wait3A_156 = arith.constant 0 : i32
    %dma_wait3A_157 = tpu.memref_slice %arg4[%mul3A_2, %dma_wait3A_156] : memref<819200x128xf32, #tpu.memory_space<hbm>> -> memref<128x128xf32, #tpu.memory_space<hbm>>
    %dma_wait3A_158 = arith.constant 0 : i32
    %dma_wait3A_159 = arith.constant 0 : i32
    %dma_wait3A_160 = tpu.memref_slice %arg6[%dma_wait3A_146, %dma_wait3A_158, %dma_wait3A_159] : memref<5x128x128xf32, #tpu.memory_space<vmem>> -> memref<1x128x128xf32, #tpu.memory_space<vmem>>
    %dma_wait3A_161 = tpu.memref_squeeze %dma_wait3A_160 : memref<1x128x128xf32, #tpu.memory_space<vmem>> -> memref<128x128xf32, #tpu.memory_space<vmem>>
    tpu.wait_dma2 semaphore(%dma_wait3A_155 : memref<!tpu.dma_semaphore, #tpu.memory_space<semaphore_mem>>) src(%dma_wait3A_161 : memref<128x128xf32, #tpu.memory_space<vmem>>) dst(%dma_wait3A_157 : memref<128x128xf32, #tpu.memory_space<hbm>>)
    return
  }
}

</mosaic_0001>

<sc_bundles>
// kernel: kernel.3.cloned.1.call-start
scs
__scs_entry_jumppad:
0x0: {  	(pc) =	sbr.rel $0x88, $3  }
0x1: {  	(tag) =	ssettag $0x0;
	lr =	simm.s32 $0x1  }
0x2: {  	[smem:$0x3F9F] =	sst lr;
	_ =	strace $0xD0000000  }
0x3: {  	_ = 	snop  }
0x4: {  	_ = 	snop  }
0x5: {  	_ = 	snop  }
0x6: {  	_ = 	snop  }
0x7: {  	_ = 	snop  }
__scs_overlays_trampoline_lowered:
0x8: {  	[smem:$0x3FAE] =	sst s0  }
0x9: {  	[smem:$0x3FAF] =	sst s1  }
0xa: {  	[smem:$0x3FB0] =	sst s2  }
0xb: {  	[smem:$0x3FB1] =	sst s3  }
0xc: {  	[smem:$0x3FB2] =	sst s4  }
0xd: {  	[smem:$0x3FB3] =	sst s5  }
0xe: {  	[smem:$0x3FB4] =	sst s6  }
0xf: {  	[smem:$0x3FB5] =	sst s7  }
0x10: {  	[smem:$0x3FB6] =	sst s8  }
0x11: {  	[smem:$0x3FB7] =	sst s9;
	s0 =	simm.s32 @!p0 $0x0  }
0x12: {  	s1 =	sld [smem:$0x3F9D];
	s0 =	simm.s32 @p0 $0x1  }
0x13: {  	[smem:$0x3FB8] =	sst s0;
	s0 =	simm.s32 @!p1 $0x0  }
0x14: {  	s2 =	sld [smem:$0x3F9C];
	s0 =	simm.s32 @p1 $0x1  }
0x15: {  	[smem:$0x3FB9] =	sst s0;
	s0 =	simm.s32 @!p2 $0x0  }
0x16: {  	s3 =	sld [smem:$0x3FDB];
	s0 =	simm.s32 @p2 $0x1  }
0x17: {  	s4 =	simm.s32 $0x1BF5;
	[smem:$0x3FBB] =	sst s0  }
0x18: {  	s0 =	sld [smem:$0x3F9E];
	_ =	swait.ge [sflag:s4], $0x0  }
0x19: {  	s7 =	sld [smem:$0x3F9F]  }
0x1a: {  	s8 =	sadd.s32 $0xFFFFE003, lr  }
0x1b: {  	s9 =	sadd.s32 $0xFFFFFEF7, lr;
	s5 =	simm.s32 $0xFFFFFFFF;
	p2 =	slt.u32 s8, $0xFFFFF086  }
0x1c: {  	p1 =	slt.u32 s9, $0xF7A;
	s5 =	simm.s32 @!p2 $0x0  }
0x1d: {  	s5 =	simm.s32 @p1 $0x1;
	p0 =	seq.s32 s7, s2  }
0x1e: {  	s7 =	smul.u32 @!p0 $0xF7A, s2;
	p2 =	seq.s32 @!p0 s5, $0x0  }
0x1f: {  	s9 =	smul.u32 $0xF7A, s1;
	s8 =	simm.s32 @!p0 $0x1BF5;
	p2 =	por !p2, p0  }
0x20: {  	[sflag:s8] =	ssyncset.s32 @!p0 $0xFFFFF086;
	s6 =	sadd.s32 @!p0 s3, s7;
	s7 =	simm.s32 @!p0 $0x108  }
0x21: {  	s3 =	sadd.s32 s3, s9;
	s6 =	sadd.s32 @!p0 $0x88, s6;
	s7 =	simm.s32 @p2 $0x1082  }
0x22: {  	[simem:s7], [sflag:s8] =	dma.local @!p0 [hbm:s6], $0xF7A  }
0x23: {  	s9 =	sor.u32 $0xD0000000, s2;
	s6 =	simm.s32 $0x108;
	_ =	swait.ge @!p0 [sflag:s8], $0x0  }
0x24: {  	s3 =	sadd.s32 $0x88, s3;
	s6 =	simm.s32 @!p1 $0x1082;
	[sflag:s4] =	ssyncset.s32 $0xFFFFF086  }
0x25: {  	[simem:s6], [sflag:s4] =	dma.local [hbm:s3], $0xF7A  }
0x26: {  	[smem:$0x3F9F] =	sst s1;
	(tag) =	ssettag s2;
	_ =	strace s9  }
0x27: {  	s1 =	sld [smem:$0x3FAF]  }
0x28: {  	s2 =	sld [smem:$0x3FB0]  }
0x29: {  	s4 =	sld [smem:$0x3FB2]  }
0x2a: {  	p0 =	seq.s32 s5, $0x0;
	s5 =	sld [smem:$0x3FB3]  }
0x2b: {  	s6 =	sld [smem:$0x3FB4]  }
0x2c: {  	s7 =	sld [smem:$0x3FB5]  }
0x2d: {  	s3 =	simm.s32 $0x108;
	s8 =	sld [smem:$0x3FB6]  }
0x2e: {  	s3 =	simm.s32 @!p0 $0x1082;
	s9 =	sld [smem:$0x3FB7]  }
0x2f: {  	lr =	sadd.s32 s0, s3;
	s0 =	sld [smem:$0x3FAE]  }
0x30: {  	s3 =	sld [smem:$0x3FB1]  }
0x31: {  	[smem:$0x3FBA] =	sst s10  }
0x32: {  	s10 =	sld [smem:$0x3FB8];
	_ =	sdelay $0x3  }
0x33: {  	p0 =	seq.s32 s10, $0x1;
	s10 =	sld [smem:$0x3FBA];
	_ =	sdelay $0x3  }
0x34: {  	[smem:$0x3FBA] =	sst s10  }
0x35: {  	s10 =	sld [smem:$0x3FB9];
	_ =	sdelay $0x3  }
0x36: {  	p1 =	seq.s32 s10, $0x1;
	s10 =	sld [smem:$0x3FBA];
	_ =	sdelay $0x3  }
0x37: {  	[smem:$0x3FBA] =	sst s10  }
0x38: {  	s10 =	sld [smem:$0x3FBB]  }
0x39: {  	_ = 	snop;
	(pc) =	sbr.ind lr, $3  }
0x3a: {  	_ = 	snop  }
0x3b: {  	_ = 	snop  }
0x3c: {  	p2 =	seq.s32 s10, $0x1;
	s10 =	sld [smem:$0x3FBA]  }
0x3d: {  	_ =	shalt  }
0x3e: {  	_ =	shalt  }
0x3f: {  	_ =	shalt  }
0x40: {  	_ =	shalt  }
0x41: {  	_ =	shalt  }
0x42: {  	_ =	shalt  }
0x43: {  	_ =	shalt  }
0x44: {  	_ =	shalt  }
0x45: {  	_ =	shalt  }
0x46: {  	_ =	shalt  }
0x47: {  	_ =	shalt  }
0x48: {  	_ =	shalt  }
0x49: {  	_ =	shalt  }
0x4a: {  	_ =	shalt  }
0x4b: {  	_ =	shalt  }
0x4c: {  	_ =	shalt  }
0x4d: {  	_ =	shalt  }
0x4e: {  	_ =	shalt  }
0x4f: {  	_ =	shalt  }
0x50: {  	_ =	shalt  }
0x51: {  	_ =	shalt  }
0x52: {  	_ =	shalt  }
0x53: {  	_ =	shalt  }
0x54: {  	_ =	shalt  }
0x55: {  	_ =	shalt  }
0x56: {  	_ =	shalt  }
0x57: {  	_ =	shalt  }
0x58: {  	_ =	shalt  }
0x59: {  	_ =	shalt  }
0x5a: {  	_ =	shalt  }
0x5b: {  	_ =	shalt  }
0x5c: {  	_ =	shalt  }
0x5d: {  	_ =	shalt  }
0x5e: {  	_ =	shalt  }
0x5f: {  	_ =	shalt  }
0x60: {  	_ =	shalt  }
0x61: {  	_ =	shalt  }
0x62: {  	_ =	shalt  }
0x63: {  	_ =	shalt  }
0x64: {  	_ =	shalt  }
0x65: {  	_ =	shalt  }
0x66: {  	_ =	shalt  }
0x67: {  	_ =	shalt  }
0x68: {  	_ =	shalt  }
0x69: {  	_ =	shalt  }
0x6a: {  	_ =	shalt  }
0x6b: {  	_ =	shalt  }
0x6c: {  	_ =	shalt  }
0x6d: {  	_ =	shalt  }
0x6e: {  	_ =	shalt  }
0x6f: {  	_ =	shalt  }
0x70: {  	_ =	shalt  }
0x71: {  	_ =	shalt  }
0x72: {  	_ =	shalt  }
0x73: {  	_ =	shalt  }
0x74: {  	_ =	shalt  }
0x75: {  	_ =	shalt  }
0x76: {  	_ =	shalt  }
0x77: {  	_ =	shalt  }
0x78: {  	_ =	shalt  }
0x79: {  	_ =	shalt  }
0x7a: {  	_ =	shalt  }
0x7b: {  	_ =	shalt  }
0x7c: {  	_ =	shalt  }
0x7d: {  	_ =	shalt  }
0x7e: {  	_ =	shalt  }
0x7f: {  	_ =	shalt  }
0x80: {  	_ =	shalt  }
0x81: {  	_ =	shalt  }
0x82: {  	_ =	shalt  }
0x83: {  	_ =	shalt  }
0x84: {  	_ =	shalt  }
0x85: {  	_ =	shalt  }
0x86: {  	_ =	shalt  }
0x87: {  	_ =	shalt  }
.Lfunc_end0:
.L_simem_size_0:
called_computation_lowered:
.L_overlay_start_0:
0x88: {  	s2 =	sld [smem:$0x3FD9]  }
0x89: {  	s3 =	sld [smem:$0x3FFE];
	_ =	sdelay $0x1  }
0x8a: {  	s1 =	srdreg.scid  }
0x8b: {  	s0 =	sand.u32 $0x1, s1  }
0x8c: {  	s17 =	sshll.u32 s0, $0xA;
	s2 =	sadd.s32 s3, s2  }
0x8d: {  	s2 =	sadd.s32 s2, s17  }
0x8e: {  	[smem:$0x3FC6] =	sst s2  }
0x8f: {  	_ = 	snop  }
0x90: {  	s2 =	sld [smem:$0x3FC8]  }
0x91: {  	s18 =	sld [smem:$0x3FD0];
	(tm) =	ssettm $0x1  }
0x92: {  	s4 =	sld [smem:$0x3FFB];
	_ =	sdelay $0x3  }
0x93: {  	_ =	strace s4  }
0x94: {  	s4 =	sld [smem:$0x3FFC];
	_ =	sdelay $0x3  }
0x95: {  	_ =	strace s4  }
0x96: {  	s4 =	sld [smem:$0x3FFD];
	_ =	sdelay $0x3  }
0x97: {  	_ =	strace s4  }
0x98: {  	_ =	strace $0x8FFFFFFF  }
0x99: {  	s19 =	sld [smem:$0x3FDB];
	_ =	sdelay $0x1  }
0x9a: {  	s5 =	simm.s32 $_scs_section_size  }
0x9b: {  	s6 =	simm.s32 $_size__tile_overlayer_lowered;
	s7 =	simm.s32 $_tile_overlayer_lowered  }
0x9c: {  	s22 =	simm.s32 $0x1BFF;
	s21 =	sshll.u32 s7, $0x1;
	s4 =	sadd.s32 s5, s19  }
0x9d: {  	s8 =	simm.s32 $0x0;
	s20 =	sshll.u32 s6, $0x1;
	s6 =	sadd.s32 s21, s4  }
0x9e: {  	[timem:s8], [sflag:s22] =	dma.local [hbm:s6], s20  }
0x9f: {  	_ =	swait.ge [sflag:s22], s20  }
0xa0: {  	s5 =	ssub.s32 $0x0, s20;
	[sflag:s22] =	ssyncset.done $0x0  }
0xa1: {  	[sflag:s22] =	ssyncadd.s32 s5;
	_ =	sdelay $0x1  }
0xa2: {  	s23 =	simm.s32 $0x1B8B  }
0xa3: {  	_ =	swait.ge [sflag:s23], $0x1  }
0xa4: {  	[sflag:s23] =	ssyncset.done $0x0  }
0xa5: {  	s25 =	simm.s32 $0x1B8E;
	s24 =	sld [smem:$0x3FFE];
	[sflag:s23] =	ssyncadd.s32 $0xFFFFFFFF  }
0xa6: {  	s26 =	simm.s32 $execute0_lowered;
	[smem:$0x3FD2] =	sst s25  }
0xa7: {  	s6 =	sshll.u32 s26, $0x1;
	_ =	strace $0x80000046;
	[dreg:$0x1] =	wrdreg $0xFFFFFFFF  }
0xa8: {  	s28 =	simm.s32 $_size_execute0_lowered;
	s4 =	sadd.s32 s4, s6;
	[dreg:$0x0] =	wrdreg $0x0  }
0xa9: {  	s6 =	sshll.u32 s28, $0x1;
	[dreg:$0x2] =	wrdreg s4  }
0xaa: {  	[dreg:$0x3] =	wrdreg s6  }
0xab: {  	[dreg:$0x4] =	wrdreg $0xC0  }
0xac: {  	_ =	task [dreg:s8], $0x5FFFF  }
0xad: {  	[dreg:$0x1] =	wrdreg $0xFFFFFFFF  }
0xae: {  	[dreg:$0x0] =	wrdreg $0x60  }
0xaf: {  	[dreg:$0x2] =	wrdreg s24  }
0xb0: {  	[dreg:$0x3] =	wrdreg s2  }
0xb1: {  	[dreg:$0x4] =	wrdreg s18  }
0xb2: {  	[dreg:$0x5] =	wrdreg $0x9  }
0xb3: {  	_ =	task.clear_ibuf [dreg:s8], $0x6FFFF;
	_ =	strace $0x90000046  }
0xb4: {  	s29 =	simm.s32 $0x9;
	_ =	strace $0x80000048  }
0xb5: {  	_ =	swait.ge [sflag:s29], $0x1  }
0xb6: {  	[sflag:s29] =	ssyncadd.s32 $0xFFFFFFFF  }
0xb7: {  	_ =	strace $0x90000048  }
0xb8: {  	_ =	sfence  }
0xb9: {  	s30 =	sld [smem:$0x0];
	_ =	sdelay $0x2  }
0xba: {  	s31 =	sshll.u32 s1, $0xD;
	s1 =	sshrl.u32 s1, $0x2  }
0xbb: {  	s3 =	sand.u32 $0x4000, s31;
	s1 =	sadd.s32 s1, s30  }
0xbc: {  	s0 =	sor.u32 s3, s0;
	s1 =	sshll.u32 s1, $0x11  }
0xbd: {  	s0 =	sor.u32 s1, s0  }
0xbe: {  	s0 =	sadd.s32 $0x8F2B, s0  }
0xbf: {  	[sflag:s0] =	ssyncadd.remote.s32 $0x1  }
0xc0: {  	_ =	sfence.sel $0xFFFF  }
0xc1: {  	[dreg:$0x0] =	wrdreg $0xFFFFFFFF;
	(pc) =	sbr.abs _section_cstart, $3  }
0xc2: {  	[dreg:$0x1] =	wrdreg $0xFFFFFFFF  }
0xc3: {  	_ =	task.clear_ibuf [dreg:s8], $0x2FFFF;
	_ =	strace $0x9FFFFFFF  }
0xc4: {  	(tm) =	ssettm $0x7FFFFFFF  }
0xc5: {  	_ =	shalt  }
tec
execute0_lowered:
.L_overlay_start_1:
0x0: {  	(tag) =	ssettag $0x1  }
0x1: {  	s4 =	rddreg [dreg:$0x0]  }
0x2: {  	s1 =	srdreg.scid;
	s2 =	rddreg [dreg:$0x1]  }
0x3: {  	s0 =	stileid.u32;
	s6 =	rddreg [dreg:$0x2]  }
0x4: {  	s3 =	simm.s32 $0x0;
	s14 =	simm.s32 $0xE400;
	s16 =	simm.s32 $0x12400  }
0x5: {  	s17 =	simm.s32 $0x200;
	s18 =	simm.s32 $0x16400;
	s19 =	simm.s32 $0x1  }
0x6: {  	s20 =	simm.s32 $0x3;
	s21 =	simm.s32 $0x5;
	s22 =	simm.s32 $0x6  }
0x7: {  	s23 =	simm.s32 $0x7;
	s24 =	simm.s32 $0x8;
	s28 =	simm.s32 $0x0  }
0x8: {  	s5 =	sand.u32 $0x1, s1;
	s25 =	sshll.u32 s0, $0x1;
	s11 =	smul.u32 $0xC8000, s0  }
0x9: {  	[smem:$0x7FF] =	sst s3;
	s7 =	sor.u32 s5, s25;
	s29 =	smul.u32 $0x64000, s5  }
0xa: {  	s9 =	ssub.s32 $0x2, s5;
	_ =	strace $0x80000047;
	s8 =	smul.u32 $0xC80, s7  }
0xb: {  	s25 =	simm.s32 $0x9;
	s7 =	smul.u32 $0x64000, s7;
	s10 =	sshrl.u32 s9, $0x1  }
.Ltmp0:
0xc: {  	s30 =	sadd.s32 s11, s6;
	s11 =	simm.s32 $0x6400;
	(pc) =	sbr.rel .LBB2_1-.Ltmp0, $4  }
0xd: {  	s26 =	ssub.s32 s9, s10;
	s31 =	sadd.s32 s29, s30;
	s9 =	simm.s32 $0xB  }
0xe: {  	s10 =	simm.s32 $0x80;
	s4 =	sadd.s32 s8, s4;
	s7 =	sadd.s32 s6, s7  }
0xf: {  	s5 =	smax.u32 s26, $0x1;
	s8 =	sadd.s32 $0x2000, s31;
	s26 =	simm.s32 $0xA  }
0x10: {  	s4 =	sadd.s32 $0x400, s4;
	s6 =	sadd.s32 $0x62000, s7;
	s7 =	sadd.s32 $0x63000, s7  }
.LBB2_4:
0x11: {  	_ =	swait.ge [sflag:s22], $0x4000  }
0x12: {  	[sflag:s22] =	ssyncset.done $0x0  }
0x13: {  	[sflag:s22] =	ssyncadd.s32 $0xFFFFC000  }
0x14: {  	_ =	swait.ge [sflag:s23], $0x4000  }
0x15: {  	[sflag:s23] =	ssyncset.done $0x0  }
0x16: {  	[sflag:s23] =	ssyncadd.s32 $0xFFFFC000  }
0x17: {  	_ =	swait.ge [sflag:s24], $0x4000  }
0x18: {  	[sflag:s24] =	ssyncset.done $0x0  }
0x19: {  	s28 =	sadd.s32 $0x1, s28;
	[sflag:s24] =	ssyncadd.s32 $0xFFFFC000  }
0x1a: {  	p0 =	sne.s32 s28, s5;
	_ =	swait.ge [sflag:s25], $0x4000  }
.Ltmp1:
0x1b: {  	[sflag:s25] =	ssyncset.done $0x0;
	(pc) =	sbr.rel @!p0 .LBB2_5-.Ltmp1, $4  }
0x1c: {  	[sflag:s25] =	ssyncadd.s32 $0xFFFFC000  }
0x1d: {  	_ =	swait.ge [sflag:s26], $0x4000  }
0x1e: {  	[sflag:s26] =	ssyncset.done $0x0  }
0x1f: {  	[sflag:s26] =	ssyncadd.s32 $0xFFFFC000  }
.LBB2_1:
0x20: {  	[tilespmem:s3], [sflag:$0xB] =	stream.linear.gather [hbm4b:s4+s3], $0x6400, $0x38;
	[tilespmem:$0x1A400] =	vst v63  }
0x21: {  	_ =	swait.ge [sflag:s9], $0x6400  }
0x22: {  	[sflag:s9] =	ssyncset.done $0x0  }
0x23: {  	[sflag:s9] =	ssyncadd.s32 $0xFFFF9C00  }
0x24: {  	[tilespmem:s11], [sflag:$0x1] =	stream.indirect.gather [hbm4b:s2+s10], $0x80, s3, s10, $0xb8;
	[tilespmem:$0x1A400] =	vst v63  }
0x25: {  	s0 =	simm.s32 $0xA400  }
0x26: {  	[tilespmem:s0], [sflag:$0x2] =	stream.indirect.gather [hbm4b:s2+s10], $0x80, s10, s10, $0xb8;
	[tilespmem:$0x1A400] =	vst v63  }
0x27: {  	s15 =	simm.s32 $0x100  }
0x28: {  	[tilespmem:s14], [sflag:$0x3] =	stream.indirect.gather [hbm4b:s2+s10], $0x80, s15, s10, $0xb8;
	[tilespmem:$0x1A400] =	vst v63  }
0x29: {  	s31 =	simm.s32 $0x180  }
0x2a: {  	[tilespmem:s16], [sflag:$0x4] =	stream.indirect.gather [hbm4b:s2+s10], $0x80, s31, s10, $0xb8;
	[tilespmem:$0x1A400] =	vst v63  }
0x2b: {  	s29 =	smov.u32 s8;
	s30 =	simm.s32 $0x0  }
0x2c: {  	[tilespmem:s18], [sflag:$0x5] =	stream.indirect.gather [hbm4b:s2+s10], $0x80, s17, s10, $0xb8;
	[tilespmem:$0x1A400] =	vst v63  }
.LBB2_2:
0x2d: {  	_ =	swait.ge [sflag:s19], $0x4000  }
0x2e: {  	[sflag:s19] =	ssyncset.done $0x0  }
0x2f: {  	s31 =	sadd.s32 $0xFFFFE000, s29;
	p0 =	seq.s32 s30, $0x18600;
	[sflag:s19] =	ssyncadd.s32 $0xFFFFC000  }
0x30: {  	[hbm4b:s31+s3] =	stream.linear.scatter [tilespmem:s11], [sflag:$0x6], $0x4000, $0x38;
	[tilespmem:$0x1A400] =	vst v63  }
0x31: {  	s31 =	simm.s32 @p0 $0x2  }
0x32: {  	_ =	swait.ge @p0 [sflag:s31], $0x4000  }
0x33: {  	[sflag:s31] =	ssyncset.done @p0 $0x0  }
0x34: {  	s1 =	simm.s32 @p0 $0xA400;
	[sflag:s31] =	ssyncadd.s32 @p0 $0xFFFFC000;
	s31 =	simm.s32 @p0 $0x0  }
0x35: {  	[hbm4b:s6+s31] =	stream.linear.scatter @p0 [tilespmem:s1], [sflag:$0x7], $0x4000, $0x38;
	[tilespmem:$0x1A400] =	vst v63  }
0x36: {  	s1 =	simm.s32 @!p0 $0x6  }
0x37: {  	_ =	swait.ge @!p0 [sflag:s1], $0x4000  }
0x38: {  	[sflag:s1] =	ssyncset.done @!p0 $0x0  }
0x39: {  	[sflag:s1] =	ssyncadd.s32 @!p0 $0xFFFFC000;
	s1 =	sshra.s32 @!p0 s30, $0x2  }
0x3a: {  	s12 =	simm.s32 @!p0 $0x80;
	s13 =	simm.s32 @!p0 $0x6400;
	s0 =	sadd.s32 @!p0 $0x280, s1  }
0x3b: {  	[tilespmem:s13], [sflag:$0x1] =	stream.indirect.gather @!p0 [hbm4b:s2+s12], $0x80, s0, s12, $0xb8;
	[tilespmem:$0x1A400] =	vst v63  }
0x3c: {  	s0 =	simm.s32 @!p0 $0x2  }
0x3d: {  	_ =	swait.ge @!p0 [sflag:s0], $0x4000  }
0x3e: {  	s15 =	simm.s32 @!p0 $0xA400;
	[sflag:s0] =	ssyncset.done @!p0 $0x0  }
0x3f: {  	s13 =	simm.s32 @!p0 $0x0;
	[sflag:s0] =	ssyncadd.s32 @!p0 $0xFFFFC000;
	s0 =	sadd.s32 @!p0 $0xFFFFE800, s29  }
0x40: {  	[hbm4b:s0+s13] =	stream.linear.scatter @!p0 [tilespmem:s15], [sflag:$0x7], $0x4000, $0x38;
	[tilespmem:$0x1A400] =	vst v63  }
0x41: {  	s0 =	simm.s32 @!p0 $0x7  }
0x42: {  	_ =	swait.ge @!p0 [sflag:s0], $0x4000  }
0x43: {  	[sflag:s0] =	ssyncset.done @!p0 $0x0  }
0x44: {  	[sflag:s0] =	ssyncadd.s32 @!p0 $0xFFFFC000;
	s0 =	sadd.s32 @!p0 $0x300, s1  }
0x45: {  	[tilespmem:s15], [sflag:$0x2] =	stream.indirect.gather @!p0 [hbm4b:s2+s12], $0x80, s0, s12, $0xb8;
	[tilespmem:$0x1A400] =	vst v63  }
0x46: {  	_ =	swait.ge [sflag:s20], $0x4000  }
0x47: {  	[sflag:s20] =	ssyncset.done $0x0  }
0x48: {  	s15 =	sadd.s32 $0xFFFFF000, s29;
	s0 =	simm.s32 @p0 $0x4;
	[sflag:s20] =	ssyncadd.s32 $0xFFFFC000  }
0x49: {  	[hbm4b:s15+s3] =	stream.linear.scatter [tilespmem:s14], [sflag:$0x8], $0x4000, $0x38;
	[tilespmem:$0x1A400] =	vst v63  }
0x4a: {  	_ =	swait.ge @p0 [sflag:s0], $0x4000  }
0x4b: {  	[sflag:s0] =	ssyncset.done @p0 $0x0  }
0x4c: {  	[sflag:s0] =	ssyncadd.s32 @p0 $0xFFFFC000;
	s0 =	simm.s32 @p0 $0x12400  }
0x4d: {  	[hbm4b:s7+s31] =	stream.linear.scatter @p0 [tilespmem:s0], [sflag:$0x9], $0x4000, $0x38;
	[tilespmem:$0x1A400] =	vst v63  }
0x4e: {  	s0 =	simm.s32 @!p0 $0x8  }
0x4f: {  	_ =	swait.ge @!p0 [sflag:s0], $0x4000  }
0x50: {  	[sflag:s0] =	ssyncset.done @!p0 $0x0  }
0x51: {  	s15 =	simm.s32 @!p0 $0xE400;
	[sflag:s0] =	ssyncadd.s32 @!p0 $0xFFFFC000;
	s0 =	sadd.s32 @!p0 $0x380, s1  }
0x52: {  	[tilespmem:s15], [sflag:$0x3] =	stream.indirect.gather @!p0 [hbm4b:s2+s12], $0x80, s0, s12, $0xb8;
	[tilespmem:$0x1A400] =	vst v63  }
0x53: {  	s0 =	simm.s32 @!p0 $0x4  }
0x54: {  	_ =	swait.ge @!p0 [sflag:s0], $0x4000  }
0x55: {  	[sflag:s0] =	ssyncset.done @!p0 $0x0  }
0x56: {  	s15 =	simm.s32 @!p0 $0x12400;
	[sflag:s0] =	ssyncadd.s32 @!p0 $0xFFFFC000;
	s0 =	sadd.s32 @!p0 $0xFFFFF800, s29  }
0x57: {  	[hbm4b:s0+s13] =	stream.linear.scatter @!p0 [tilespmem:s15], [sflag:$0x9], $0x4000, $0x38;
	[tilespmem:$0x1A400] =	vst v63  }
0x58: {  	s0 =	simm.s32 @!p0 $0x9  }
0x59: {  	_ =	swait.ge @!p0 [sflag:s0], $0x4000  }
0x5a: {  	[sflag:s0] =	ssyncset.done @!p0 $0x0  }
0x5b: {  	[sflag:s0] =	ssyncadd.s32 @!p0 $0xFFFFC000;
	s0 =	sadd.s32 @!p0 $0x400, s1  }
0x5c: {  	[tilespmem:s15], [sflag:$0x4] =	stream.indirect.gather @!p0 [hbm4b:s2+s12], $0x80, s0, s12, $0xb8;
	[tilespmem:$0x1A400] =	vst v63  }
.Ltmp2:
0x5d: {  	_ = 	snop;
	(pc) =	sbr.rel @p0 .LBB2_4-.Ltmp2, $4  }
0x5e: {  	_ =	swait.ge [sflag:s21], $0x4000  }
0x5f: {  	[sflag:s21] =	ssyncset.done $0x0  }
0x60: {  	[sflag:s21] =	ssyncadd.s32 $0xFFFFC000  }
0x61: {  	[hbm4b:s29+s3] =	stream.linear.scatter [tilespmem:s18], [sflag:$0xA], $0x4000, $0x38;
	[tilespmem:$0x1A400] =	vst v63  }
.Ltmp3:
0x62: {  	(pc) =	sbr.rel .LBB2_2-.Ltmp3, $4  }
0x63: {  	_ =	swait.ge [sflag:s26], $0x4000  }
0x64: {  	s0 =	sshra.s32 s30, $0x2;
	s30 =	sadd.s32 $0xA00, s30;
	[sflag:s26] =	ssyncset.done $0x0  }
0x65: {  	s29 =	sadd.s32 $0x2800, s29;
	s0 =	sadd.s32 $0x480, s0;
	[sflag:s26] =	ssyncadd.s32 $0xFFFFC000  }
0x66: {  	[tilespmem:s18], [sflag:$0x5] =	stream.indirect.gather [hbm4b:s2+s10], $0x80, s0, s10, $0xb8;
	[tilespmem:$0x1A400] =	vst v63  }
.LBB2_5:
0x67: {  	_ =	sfence.sel $0x180000  }
0x68: {  	[bflag:$0x0] =	sbarrier.arrive $0xFFFF  }
0x69: {  	_ =	strace $0x90000047  }
0x6a: {  	s0 =	stileid.u32;
	[bflag:$0x2] =	sbarrier.arrive $0xFFFF  }
0x6b: {  	p0 =	sne.s32 s0, $0x0;
	s0 =	rddreg [dreg:$0x3]  }
0x6c: {  	s0 =	sadd.s32 @!p0 $0x100000, s0  }
0x6d: {  	[sflag:s0] =	ssyncadd.tile.s32 @!p0 $0x1;
	_ =	shalt  }
.Lfunc_end2:
_tile_overlayer_lowered:
.L_overlay_start_2:
0x6e: {  	(tag) =	ssettag $0x2  }
0x6f: {  	s0 =	rddreg [dreg:$0x0];
	s2 =	stileid.u32  }
0x70: {  	s1 =	rddreg [dreg:$0x1];
	p0 =	sne.s32 s2, $0x0  }
0x71: {  	s3 =	rddreg [dreg:$0x2];
	[bflag:$0x3] =	sbarrier.arrive $0xFFFF;
	s2 =	simm.s32 @!p0 $0x1C0B  }
0x72: {  	[timem:s3], [sflag:s2] =	dma.local @!p0 [hbm:s0], s1  }
0x73: {  	s0 =	simm.s32 @!p0 $0xB  }
0x74: {  	_ =	swait.ge @!p0 [sflag:s0], s1  }
0x75: {  	s1 =	ssub.s32 @!p0 $0x0, s1;
	[sflag:s0] =	ssyncset.done @!p0 $0x0  }
0x76: {  	[sflag:s0] =	ssyncadd.s32 @!p0 s1  }
0x77: {  	[bflag:$0x3] =	sbarrier.arrive $0xFFFF  }
0x78: {  	_ =	shalt  }

</sc_bundles>
